<compile_context>
chip_gen: v7x
topology: tpu7x:2x2x1
jax: 0.10.2.dev20260603
libtpu: 0.0.44.dev20260713+nightly
codegen_flags: <defaults>
</compile_context>

<pallas_src>
import functools
import jax
import jax.numpy as jnp
from jax import lax
from jax.experimental import pallas as pl
from jax.experimental.pallas import tpu as pltpu
from jax.experimental.pallas import tpu_sc as plsc

MAXLEN = 200
EMBED = 64
BATCH = 1024
LANES = 16
NC, NS = 2, 16
NW = NC * NS
BB = BATCH // 128
NITEMS = MAXLEN * BB
IPW = NITEMS // NW


@jax.jit
def _run(x_lin, token_table, pos_table):
    mesh = plsc.VectorSubcoreMesh(core_axis_name="c", subcore_axis_name="s")

    scratch = [
        pltpu.VMEM((MAXLEN, EMBED), jnp.float32),
        pltpu.VMEM((128, 128), jnp.int32),
    ]
    scratch += [pltpu.VMEM((128, EMBED), jnp.float32) for _ in range(2)]
    scratch += [pltpu.VMEM((EMBED, 129), jnp.float32) for _ in range(2)]
    scratch += [pltpu.SemaphoreType.DMA for _ in range(5)]

    @functools.partial(
        pl.kernel,
        out_type=jax.ShapeDtypeStruct((MAXLEN * 512, 128), jnp.float32),
        mesh=mesh,
        scratch_types=scratch,
        compiler_params=pltpu.CompilerParams(
            use_tc_tiling_on_sc=False, needs_layout_passes=False
        ),
    )
    def k(xl_hbm, tab_hbm, pos_hbm, out_hbm, pos_v, ixs, g0, g1, o0, o1,
          iss, gs0, gs1, os0, os1):
        gbufs, obufs = (g0, g1), (o0, o1)
        gsems, osems = (gs0, gs1), (os0, os1)

        wid = lax.axis_index("s") * NC + lax.axis_index("c")
        m0 = wid * IPW
        kbase = (m0 // 64) * 64
        second = kbase + 128 <= NITEMS
        pltpu.async_copy(
            xl_hbm.at[pl.ds(kbase, 64)], ixs.at[pl.ds(0, 64)], iss
        )

        @pl.when(second)
        def _load2():
            pltpu.async_copy(
                xl_hbm.at[pl.ds(kbase + 64, 64)], ixs.at[pl.ds(64, 64)], iss
            )

        pltpu.sync_copy(pos_hbm, pos_v)
        pltpu.make_async_copy(
            xl_hbm.at[pl.ds(kbase, 64)], ixs.at[pl.ds(0, 64)], iss
        ).wait()

        @pl.when(second)
        def _wait2():
            pltpu.make_async_copy(
                xl_hbm.at[pl.ds(kbase, 64)], ixs.at[pl.ds(0, 64)], iss
            ).wait()

        lanes = lax.iota(jnp.int32, LANES)

        def xrow(m):
            t = m // BB
            j = lax.rem(m, BB)
            return (t // 8) * 64 + j * 8 + lax.rem(t, 8)

        def fire_gather(m, b):
            pltpu.async_copy(
                tab_hbm.at[ixs.at[xrow(m) - kbase]], gbufs[b], gsems[b]
            )

        def wait_gather(m, b):
            pltpu.make_async_copy(
                tab_hbm.at[ixs.at[xrow(m) - kbase]], gbufs[b], gsems[b]
            ).wait()

        def fire_out(m, b):
            t = m // BB
            j = lax.rem(m, BB)
            base = t * 512 + j * 8
            for fo in range(EMBED // 8):
                pltpu.async_copy(
                    obufs[b].at[pl.ds(fo * 8, 8), pl.ds(0, 128)],
                    out_hbm.at[pl.ds(base + fo * 64, 8)],
                    osems[b],
                )

        def drain_out(b):
            for _ in range(EMBED // 8):
                pltpu.make_async_copy(
                    obufs[b].at[pl.ds(0, 8), pl.ds(0, 128)],
                    out_hbm.at[pl.ds(0, 8)],
                    osems[b],
                ).wait()

        fire_gather(m0, 0)
        fire_gather(m0 + 1, 1)

        def outer(o, carry):
            for b in range(2):
                l = o * 2 + b
                m = m0 + l

                wait_gather(m, b)

                @pl.when(l >= 2)
                def _drain():
                    drain_out(b)

                gbuf = gbufs[b]
                obuf = obufs[b]
                t = m // BB

                pos4 = [pos_v[t, pl.ds(fg * LANES, LANES)] for fg in range(4)]
                rowidx = [lanes + fg * LANES for fg in range(4)]

                @plsc.parallel_loop(0, 128, unroll=2)
                def _tr(bi):
                    bcol = lax.broadcast(bi, (LANES,))
                    for fg in range(4):
                        v = gbuf[bi, pl.ds(fg * LANES, LANES)]
                        plsc.store_scatter(
                            obuf, [rowidx[fg], bcol], v + pos4[fg]
                        )

                fire_out(m, b)

                @pl.when(l + 2 < IPW)
                def _pf_gather():
                    fire_gather(m + 2, b)

            return carry

        lax.fori_loop(0, IPW // 2, outer, 0)
        for b in range(2):
            drain_out(b)

    return k(x_lin, token_table, pos_table)


def kernel(x, token_table, pos_table):
    x_lin = (
        x.T.reshape(25, 8, 8, 128).transpose(0, 2, 1, 3).reshape(1600, 128)
    ).astype(jnp.int32)
    out_lin = _run(x_lin, token_table, pos_table)
    out = (
        out_lin.reshape(MAXLEN, 8, 8, 8, 128)
        .transpose(2, 4, 0, 1, 3)
        .reshape(BATCH, MAXLEN, EMBED)
    )
    return out

# --- scband reference (transcript-rebuilt; emitter-appended) ---
"""Pipeline reference for scband-token-and-position-embedding-69303592288731 (READ-ONLY COPY).

The authoritative reference and input builder live on the scoring server;
editing this copy changes nothing except your own understanding.
"""

import jax, jax.numpy as jnp
import numpy as np

MAXLEN = 200
VOCAB_SIZE = 100000
EMBED_DIM = 64
BATCH = 1024


def setup_inputs(seed: int = 0) -> dict:
    key = jax.random.key(seed)
    k1, k2, k3 = jax.random.split(key, 3)
    x = jax.random.randint(k1, (BATCH, MAXLEN), 0, VOCAB_SIZE, dtype=jnp.int64 if jax.config.read('jax_enable_x64') else jnp.int32)
    token_table = jax.random.normal(k2, (VOCAB_SIZE, EMBED_DIM), dtype=jnp.float32) * 0.05
    pos_table = jax.random.normal(k3, (MAXLEN, EMBED_DIM), dtype=jnp.float32) * 0.05
    return {"x": x, "token_table": token_table, "pos_table": pos_table}


def reference(x, token_table, pos_table):
    maxlen = x.shape[-1]
    positions = jnp.arange(0, maxlen)
    pos_emb = jnp.take(pos_table, positions, axis=0)  # [maxlen, embed_dim]
    tok_emb = jnp.take(token_table, x, axis=0)        # [batch, maxlen, embed_dim]
    return tok_emb + pos_emb

if __name__ == "__main__":
    import jax
    _d = setup_inputs()
    print(jax.jit(kernel)(*tuple(_d.values())))

</pallas_src>

<mosaic_0001>
#map = affine_map<(d0, d1) -> (0, 0)>
module attributes {stable_mosaic.version = 14 : i64} {
  func.func @k(%arg0: i32, %arg1: i32, %arg2: memref<1600x128xi32, #tpu.memory_space<hbm>>, %arg3: memref<100000x64xf32, #tpu.memory_space<hbm>>, %arg4: memref<200x64xf32, #tpu.memory_space<hbm>>, %arg5: memref<102400x128xf32, #tpu.memory_space<hbm>>, %arg6: memref<200x64xf32, #tpu.memory_space<vmem>>, %arg7: memref<128x128xi32, #tpu.memory_space<vmem>>, %arg8: memref<128x64xf32, #tpu.memory_space<vmem>>, %arg9: memref<128x64xf32, #tpu.memory_space<vmem>>, %arg10: memref<64x129xf32, #tpu.memory_space<vmem>>, %arg11: memref<64x129xf32, #tpu.memory_space<vmem>>, %arg12: memref<!tpu.dma_semaphore, #tpu.memory_space<semaphore_mem>>, %arg13: memref<!tpu.dma_semaphore, #tpu.memory_space<semaphore_mem>>, %arg14: memref<!tpu.dma_semaphore, #tpu.memory_space<semaphore_mem>>, %arg15: memref<!tpu.dma_semaphore, #tpu.memory_space<semaphore_mem>>, %arg16: memref<!tpu.dma_semaphore, #tpu.memory_space<semaphore_mem>>) attributes {dimension_semantics = [#tpu.dimension_semantics<core_parallel>, #tpu.dimension_semantics<subcore_parallel>], iteration_bounds = array<i64: 2, 16>, scalar_prefetch = 0 : i64, scratch_operands = 11 : i64, tpu.core_type = #tpu.core_type<sc_vector_subcore>, window_params = [{transform_indices = #map}, {transform_indices = #map}, {transform_indices = #map}, {transform_indices = #map}]} {
    %mul3A = arith.constant 2 : i32
    %mul3A_0 = arith.muli %arg1, %mul3A : i32
    %add3A = arith.addi %mul3A_0, %arg0 : i32
    %mul3A_1 = arith.constant 50 : i32
    %mul3A_2 = arith.muli %add3A, %mul3A_1 : i32
    %jit3A = arith.constant 64 : i32
    %div3A = arith.divsi %mul3A_2, %jit3A : i32
    %sign3A = arith.constant 0 : i32
    %sign3A_3 = arith.cmpi sgt, %mul3A_2, %sign3A : i32
    %sign3A_4 = arith.extui %sign3A_3 : i1 to i32
    %sign3A_5 = arith.constant 0 : i32
    %sign3A_6 = arith.cmpi slt, %mul3A_2, %sign3A_5 : i32
    %sign3A_7 = arith.extui %sign3A_6 : i1 to i32
    %sign3A_8 = arith.subi %sign3A_4, %sign3A_7 : i32
    %sign3A_9 = arith.constant 0 : i32
    %sign3A_10 = arith.cmpi sgt, %jit3A, %sign3A_9 : i32
    %sign3A_11 = arith.extui %sign3A_10 : i1 to i32
    %sign3A_12 = arith.constant 0 : i32
    %sign3A_13 = arith.cmpi slt, %jit3A, %sign3A_12 : i32
    %sign3A_14 = arith.extui %sign3A_13 : i1 to i32
    %sign3A_15 = arith.subi %sign3A_11, %sign3A_14 : i32
    %ne3A = arith.cmpi ne, %sign3A_8, %sign3A_15 : i32
    %rem3A = arith.remsi %mul3A_2, %jit3A : i32
    %ne3A_16 = arith.constant 0 : i32
    %ne3A_17 = arith.cmpi ne, %rem3A, %ne3A_16 : i32
    %and3A = arith.andi %ne3A, %ne3A_17 : i1
    %sub3A = arith.constant 1 : i32
    %sub3A_18 = arith.subi %div3A, %sub3A : i32
    %select_n3A = arith.select %and3A, %sub3A_18, %div3A : i32
    %mul3A_19 = arith.constant 64 : i32
    %mul3A_20 = arith.muli %select_n3A, %mul3A_19 : i32
    %add3A_21 = arith.constant 128 : i32
    %add3A_22 = arith.addi %mul3A_20, %add3A_21 : i32
    %le3A = arith.constant 1600 : i32
    %le3A_23 = arith.cmpi sle, %add3A_22, %le3A : i32
    %dma_start3A = arith.constant 0 : i32
    %dma_start3A_24 = arith.constant 0 : i32
    %dma_start3A_25 = tpu.memref_slice %arg7[%dma_start3A, %dma_start3A_24] : memref<128x128xi32, #tpu.memory_space<vmem>> -> memref<64x128xi32, #tpu.memory_space<vmem>>
    %dma_start3A_26 = arith.constant 0 : i32
    %dma_start3A_27 = tpu.memref_slice %arg2[%mul3A_20, %dma_start3A_26] : memref<1600x128xi32, #tpu.memory_space<hbm>> -> memref<64x128xi32, #tpu.memory_space<hbm>>
    %dma_start3A_28 = arith.constant 0 : i32
    %dma_start3A_29 = arith.constant 0 : i32
    %dma_start3A_30 = tpu.memref_slice %arg7[%dma_start3A_28, %dma_start3A_29] : memref<128x128xi32, #tpu.memory_space<vmem>> -> memref<64x128xi32, #tpu.memory_space<vmem>>
    %dma_start3A_31 = arith.constant 0 : i32
    %dma_start3A_32 = tpu.memref_slice %arg2[%mul3A_20, %dma_start3A_31] : memref<1600x128xi32, #tpu.memory_space<hbm>> -> memref<64x128xi32, #tpu.memory_space<hbm>>
    tpu.enqueue_dma source(%dma_start3A_32 : memref<64x128xi32, #tpu.memory_space<hbm>>) target(%dma_start3A_30 : memref<64x128xi32, #tpu.memory_space<vmem>>) target_semaphore(%arg12 : memref<!tpu.dma_semaphore, #tpu.memory_space<semaphore_mem>>)
    %convert_element_type3A = arith.extui %le3A_23 : i1 to i32
    %cond3A = arith.constant 0 : i32
    %cond3A_33 = arith.cmpi ne, %convert_element_type3A, %cond3A : i32
    scf.if %cond3A_33 {
      %add3A_375 = arith.constant 64 : i32
      %add3A_376 = arith.addi %mul3A_20, %add3A_375 : i32
      %dma_start3A_377 = arith.constant 64 : i32
      %dma_start3A_378 = arith.constant 0 : i32
      %dma_start3A_379 = tpu.memref_slice %arg7[%dma_start3A_377, %dma_start3A_378] : memref<128x128xi32, #tpu.memory_space<vmem>> -> memref<64x128xi32, #tpu.memory_space<vmem>>
      %dma_start3A_380 = arith.constant 0 : i32
      %dma_start3A_381 = tpu.memref_slice %arg2[%add3A_376, %dma_start3A_380] : memref<1600x128xi32, #tpu.memory_space<hbm>> -> memref<64x128xi32, #tpu.memory_space<hbm>>
      %dma_start3A_382 = arith.constant 64 : i32
      %dma_start3A_383 = arith.constant 0 : i32
      %dma_start3A_384 = tpu.memref_slice %arg7[%dma_start3A_382, %dma_start3A_383] : memref<128x128xi32, #tpu.memory_space<vmem>> -> memref<64x128xi32, #tpu.memory_space<vmem>>
      %dma_start3A_385 = arith.constant 0 : i32
      %dma_start3A_386 = tpu.memref_slice %arg2[%add3A_376, %dma_start3A_385] : memref<1600x128xi32, #tpu.memory_space<hbm>> -> memref<64x128xi32, #tpu.memory_space<hbm>>
      tpu.enqueue_dma source(%dma_start3A_386 : memref<64x128xi32, #tpu.memory_space<hbm>>) target(%dma_start3A_384 : memref<64x128xi32, #tpu.memory_space<vmem>>) target_semaphore(%arg12 : memref<!tpu.dma_semaphore, #tpu.memory_space<semaphore_mem>>)
    } else {
    }
    "tpu.region"() ({
      %run_scoped3A = tpu.sem_alloc : memref<!tpu.dma_semaphore, #tpu.memory_space<semaphore_mem>>
      tpu.enqueue_dma source(%arg4 : memref<200x64xf32, #tpu.memory_space<hbm>>) target(%arg6 : memref<200x64xf32, #tpu.memory_space<vmem>>) target_semaphore(%run_scoped3A : memref<!tpu.dma_semaphore, #tpu.memory_space<semaphore_mem>>)
      tpu.wait_dma2 semaphore(%run_scoped3A : memref<!tpu.dma_semaphore, #tpu.memory_space<semaphore_mem>>) src(%arg4 : memref<200x64xf32, #tpu.memory_space<hbm>>) dst(%arg6 : memref<200x64xf32, #tpu.memory_space<vmem>>)
      tpu.yield
    }) : () -> ()
    %dma_wait3A = arith.constant 0 : i32
    %dma_wait3A_34 = arith.constant 0 : i32
    %dma_wait3A_35 = tpu.memref_slice %arg7[%dma_wait3A, %dma_wait3A_34] : memref<128x128xi32, #tpu.memory_space<vmem>> -> memref<64x128xi32, #tpu.memory_space<vmem>>
    %dma_wait3A_36 = arith.constant 0 : i32
    %dma_wait3A_37 = tpu.memref_slice %arg2[%mul3A_20, %dma_wait3A_36] : memref<1600x128xi32, #tpu.memory_space<hbm>> -> memref<64x128xi32, #tpu.memory_space<hbm>>
    %dma_wait3A_38 = arith.constant 0 : i32
    %dma_wait3A_39 = arith.constant 0 : i32
    %dma_wait3A_40 = tpu.memref_slice %arg7[%dma_wait3A_38, %dma_wait3A_39] : memref<128x128xi32, #tpu.memory_space<vmem>> -> memref<64x128xi32, #tpu.memory_space<vmem>>
    %dma_wait3A_41 = arith.constant 0 : i32
    %dma_wait3A_42 = tpu.memref_slice %arg2[%mul3A_20, %dma_wait3A_41] : memref<1600x128xi32, #tpu.memory_space<hbm>> -> memref<64x128xi32, #tpu.memory_space<hbm>>
    tpu.wait_dma2 semaphore(%arg12 : memref<!tpu.dma_semaphore, #tpu.memory_space<semaphore_mem>>) src(%dma_wait3A_42 : memref<64x128xi32, #tpu.memory_space<hbm>>) dst(%dma_wait3A_40 : memref<64x128xi32, #tpu.memory_space<vmem>>)
    %convert_element_type3A_43 = arith.extui %le3A_23 : i1 to i32
    %cond3A_44 = arith.constant 0 : i32
    %cond3A_45 = arith.cmpi ne, %convert_element_type3A_43, %cond3A_44 : i32
    scf.if %cond3A_45 {
      %dma_wait3A_375 = arith.constant 0 : i32
      %dma_wait3A_376 = arith.constant 0 : i32
      %dma_wait3A_377 = tpu.memref_slice %arg7[%dma_wait3A_375, %dma_wait3A_376] : memref<128x128xi32, #tpu.memory_space<vmem>> -> memref<64x128xi32, #tpu.memory_space<vmem>>
      %dma_wait3A_378 = arith.constant 0 : i32
      %dma_wait3A_379 = tpu.memref_slice %arg2[%mul3A_20, %dma_wait3A_378] : memref<1600x128xi32, #tpu.memory_space<hbm>> -> memref<64x128xi32, #tpu.memory_space<hbm>>
      %dma_wait3A_380 = arith.constant 0 : i32
      %dma_wait3A_381 = arith.constant 0 : i32
      %dma_wait3A_382 = tpu.memref_slice %arg7[%dma_wait3A_380, %dma_wait3A_381] : memref<128x128xi32, #tpu.memory_space<vmem>> -> memref<64x128xi32, #tpu.memory_space<vmem>>
      %dma_wait3A_383 = arith.constant 0 : i32
      %dma_wait3A_384 = tpu.memref_slice %arg2[%mul3A_20, %dma_wait3A_383] : memref<1600x128xi32, #tpu.memory_space<hbm>> -> memref<64x128xi32, #tpu.memory_space<hbm>>
      tpu.wait_dma2 semaphore(%arg12 : memref<!tpu.dma_semaphore, #tpu.memory_space<semaphore_mem>>) src(%dma_wait3A_384 : memref<64x128xi32, #tpu.memory_space<hbm>>) dst(%dma_wait3A_382 : memref<64x128xi32, #tpu.memory_space<vmem>>)
    } else {
    }
    %iota3A = tpu.iota {dimensions = array<i32: 0>} : vector<16xi32>
    %jit3A_46 = arith.constant 8 : i32
    %div3A_47 = arith.divsi %mul3A_2, %jit3A_46 : i32
    %sign3A_48 = arith.constant 0 : i32
    %sign3A_49 = arith.cmpi sgt, %mul3A_2, %sign3A_48 : i32
    %sign3A_50 = arith.extui %sign3A_49 : i1 to i32
    %sign3A_51 = arith.constant 0 : i32
    %sign3A_52 = arith.cmpi slt, %mul3A_2, %sign3A_51 : i32
    %sign3A_53 = arith.extui %sign3A_52 : i1 to i32
    %sign3A_54 = arith.subi %sign3A_50, %sign3A_53 : i32
    %sign3A_55 = arith.constant 0 : i32
    %sign3A_56 = arith.cmpi sgt, %jit3A_46, %sign3A_55 : i32
    %sign3A_57 = arith.extui %sign3A_56 : i1 to i32
    %sign3A_58 = arith.constant 0 : i32
    %sign3A_59 = arith.cmpi slt, %jit3A_46, %sign3A_58 : i32
    %sign3A_60 = arith.extui %sign3A_59 : i1 to i32
    %sign3A_61 = arith.subi %sign3A_57, %sign3A_60 : i32
    %ne3A_62 = arith.cmpi ne, %sign3A_54, %sign3A_61 : i32
    %rem3A_63 = arith.remsi %mul3A_2, %jit3A_46 : i32
    %ne3A_64 = arith.constant 0 : i32
    %ne3A_65 = arith.cmpi ne, %rem3A_63, %ne3A_64 : i32
    %and3A_66 = arith.andi %ne3A_62, %ne3A_65 : i1
    %sub3A_67 = arith.constant 1 : i32
    %sub3A_68 = arith.subi %div3A_47, %sub3A_67 : i32
    %select_n3A_69 = arith.select %and3A_66, %sub3A_68, %div3A_47 : i32
    %rem3A_70 = arith.constant 8 : i32
    %rem3A_71 = arith.remsi %mul3A_2, %rem3A_70 : i32
    %jit3A_72 = arith.constant 8 : i32
    %div3A_73 = arith.divsi %select_n3A_69, %jit3A_72 : i32
    %sign3A_74 = arith.constant 0 : i32
    %sign3A_75 = arith.cmpi sgt, %select_n3A_69, %sign3A_74 : i32
    %sign3A_76 = arith.extui %sign3A_75 : i1 to i32
    %sign3A_77 = arith.constant 0 : i32
    %sign3A_78 = arith.cmpi slt, %select_n3A_69, %sign3A_77 : i32
    %sign3A_79 = arith.extui %sign3A_78 : i1 to i32
    %sign3A_80 = arith.subi %sign3A_76, %sign3A_79 : i32
    %sign3A_81 = arith.constant 0 : i32
    %sign3A_82 = arith.cmpi sgt, %jit3A_72, %sign3A_81 : i32
    %sign3A_83 = arith.extui %sign3A_82 : i1 to i32
    %sign3A_84 = arith.constant 0 : i32
    %sign3A_85 = arith.cmpi slt, %jit3A_72, %sign3A_84 : i32
    %sign3A_86 = arith.extui %sign3A_85 : i1 to i32
    %sign3A_87 = arith.subi %sign3A_83, %sign3A_86 : i32
    %ne3A_88 = arith.cmpi ne, %sign3A_80, %sign3A_87 : i32
    %rem3A_89 = arith.remsi %select_n3A_69, %jit3A_72 : i32
    %ne3A_90 = arith.constant 0 : i32
    %ne3A_91 = arith.cmpi ne, %rem3A_89, %ne3A_90 : i32
    %and3A_92 = arith.andi %ne3A_88, %ne3A_91 : i1
    %sub3A_93 = arith.constant 1 : i32
    %sub3A_94 = arith.subi %div3A_73, %sub3A_93 : i32
    %select_n3A_95 = arith.select %and3A_92, %sub3A_94, %div3A_73 : i32
    %mul3A_96 = arith.constant 64 : i32
    %mul3A_97 = arith.muli %select_n3A_95, %mul3A_96 : i32
    %mul3A_98 = arith.constant 8 : i32
    %mul3A_99 = arith.muli %rem3A_71, %mul3A_98 : i32
    %add3A_100 = arith.addi %mul3A_97, %mul3A_99 : i32
    %rem3A_101 = arith.constant 8 : i32
    %rem3A_102 = arith.remsi %select_n3A_69, %rem3A_101 : i32
    %add3A_103 = arith.addi %add3A_100, %rem3A_102 : i32
    %sub3A_104 = arith.subi %add3A_103, %mul3A_20 : i32
    %dma_start3A_105 = arith.constant 0 : i32
    %dma_start3A_106 = tpu.memref_slice %arg7[%sub3A_104, %dma_start3A_105] : memref<128x128xi32, #tpu.memory_space<vmem>> -> memref<1x128xi32, #tpu.memory_space<vmem>>
    %dma_start3A_107 = tpu.memref_squeeze %dma_start3A_106 : memref<1x128xi32, #tpu.memory_space<vmem>> -> memref<128xi32, #tpu.memory_space<vmem>>
    %dma_start3A_108 = arith.constant 0 : i32
    %dma_start3A_109 = arith.constant 0 : i32
    %dma_start3A_110 = tpu.memref_slice %arg3[%dma_start3A_108, %dma_start3A_109] : memref<100000x64xf32, #tpu.memory_space<hbm>> -> memref<100000x64xf32, #tpu.memory_space<hbm>>
    tpu.enqueue_indirect_dma source(%dma_start3A_110 : memref<100000x64xf32, #tpu.memory_space<hbm>>) target(%arg8 : memref<128x64xf32, #tpu.memory_space<vmem>>) offsets(%dma_start3A_107 : memref<128xi32, #tpu.memory_space<vmem>>) semaphore(%arg13 : memref<!tpu.dma_semaphore, #tpu.memory_space<semaphore_mem>>)
    %add3A_111 = arith.constant 1 : i32
    %add3A_112 = arith.addi %mul3A_2, %add3A_111 : i32
    %jit3A_113 = arith.constant 8 : i32
    %div3A_114 = arith.divsi %add3A_112, %jit3A_113 : i32
    %sign3A_115 = arith.constant 0 : i32
    %sign3A_116 = arith.cmpi sgt, %add3A_112, %sign3A_115 : i32
    %sign3A_117 = arith.extui %sign3A_116 : i1 to i32
    %sign3A_118 = arith.constant 0 : i32
    %sign3A_119 = arith.cmpi slt, %add3A_112, %sign3A_118 : i32
    %sign3A_120 = arith.extui %sign3A_119 : i1 to i32
    %sign3A_121 = arith.subi %sign3A_117, %sign3A_120 : i32
    %sign3A_122 = arith.constant 0 : i32
    %sign3A_123 = arith.cmpi sgt, %jit3A_113, %sign3A_122 : i32
    %sign3A_124 = arith.extui %sign3A_123 : i1 to i32
    %sign3A_125 = arith.constant 0 : i32
    %sign3A_126 = arith.cmpi slt, %jit3A_113, %sign3A_125 : i32
    %sign3A_127 = arith.extui %sign3A_126 : i1 to i32
    %sign3A_128 = arith.subi %sign3A_124, %sign3A_127 : i32
    %ne3A_129 = arith.cmpi ne, %sign3A_121, %sign3A_128 : i32
    %rem3A_130 = arith.remsi %add3A_112, %jit3A_113 : i32
    %ne3A_131 = arith.constant 0 : i32
    %ne3A_132 = arith.cmpi ne, %rem3A_130, %ne3A_131 : i32
    %and3A_133 = arith.andi %ne3A_129, %ne3A_132 : i1
    %sub3A_134 = arith.constant 1 : i32
    %sub3A_135 = arith.subi %div3A_114, %sub3A_134 : i32
    %select_n3A_136 = arith.select %and3A_133, %sub3A_135, %div3A_114 : i32
    %rem3A_137 = arith.constant 8 : i32
    %rem3A_138 = arith.remsi %add3A_112, %rem3A_137 : i32
    %jit3A_139 = arith.constant 8 : i32
    %div3A_140 = arith.divsi %select_n3A_136, %jit3A_139 : i32
    %sign3A_141 = arith.constant 0 : i32
    %sign3A_142 = arith.cmpi sgt, %select_n3A_136, %sign3A_141 : i32
    %sign3A_143 = arith.extui %sign3A_142 : i1 to i32
    %sign3A_144 = arith.constant 0 : i32
    %sign3A_145 = arith.cmpi slt, %select_n3A_136, %sign3A_144 : i32
    %sign3A_146 = arith.extui %sign3A_145 : i1 to i32
    %sign3A_147 = arith.subi %sign3A_143, %sign3A_146 : i32
    %sign3A_148 = arith.constant 0 : i32
    %sign3A_149 = arith.cmpi sgt, %jit3A_139, %sign3A_148 : i32
    %sign3A_150 = arith.extui %sign3A_149 : i1 to i32
    %sign3A_151 = arith.constant 0 : i32
    %sign3A_152 = arith.cmpi slt, %jit3A_139, %sign3A_151 : i32
    %sign3A_153 = arith.extui %sign3A_152 : i1 to i32
    %sign3A_154 = arith.subi %sign3A_150, %sign3A_153 : i32
    %ne3A_155 = arith.cmpi ne, %sign3A_147, %sign3A_154 : i32
    %rem3A_156 = arith.remsi %select_n3A_136, %jit3A_139 : i32
    %ne3A_157 = arith.constant 0 : i32
    %ne3A_158 = arith.cmpi ne, %rem3A_156, %ne3A_157 : i32
    %and3A_159 = arith.andi %ne3A_155, %ne3A_158 : i1
    %sub3A_160 = arith.constant 1 : i32
    %sub3A_161 = arith.subi %div3A_140, %sub3A_160 : i32
    %select_n3A_162 = arith.select %and3A_159, %sub3A_161, %div3A_140 : i32
    %mul3A_163 = arith.constant 64 : i32
    %mul3A_164 = arith.muli %select_n3A_162, %mul3A_163 : i32
    %mul3A_165 = arith.constant 8 : i32
    %mul3A_166 = arith.muli %rem3A_138, %mul3A_165 : i32
    %add3A_167 = arith.addi %mul3A_164, %mul3A_166 : i32
    %rem3A_168 = arith.constant 8 : i32
    %rem3A_169 = arith.remsi %select_n3A_136, %rem3A_168 : i32
    %add3A_170 = arith.addi %add3A_167, %rem3A_169 : i32
    %sub3A_171 = arith.subi %add3A_170, %mul3A_20 : i32
    %dma_start3A_172 = arith.constant 0 : i32
    %dma_start3A_173 = tpu.memref_slice %arg7[%sub3A_171, %dma_start3A_172] : memref<128x128xi32, #tpu.memory_space<vmem>> -> memref<1x128xi32, #tpu.memory_space<vmem>>
    %dma_start3A_174 = tpu.memref_squeeze %dma_start3A_173 : memref<1x128xi32, #tpu.memory_space<vmem>> -> memref<128xi32, #tpu.memory_space<vmem>>
    %dma_start3A_175 = arith.constant 0 : i32
    %dma_start3A_176 = arith.constant 0 : i32
    %dma_start3A_177 = tpu.memref_slice %arg3[%dma_start3A_175, %dma_start3A_176] : memref<100000x64xf32, #tpu.memory_space<hbm>> -> memref<100000x64xf32, #tpu.memory_space<hbm>>
    tpu.enqueue_indirect_dma source(%dma_start3A_177 : memref<100000x64xf32, #tpu.memory_space<hbm>>) target(%arg9 : memref<128x64xf32, #tpu.memory_space<vmem>>) offsets(%dma_start3A_174 : memref<128xi32, #tpu.memory_space<vmem>>) semaphore(%arg14 : memref<!tpu.dma_semaphore, #tpu.memory_space<semaphore_mem>>)
    %scan3A = arith.constant 0 : i32
    %scan3A_178 = arith.constant 0 : i32
    %scan3A_179 = arith.constant 25 : i32
    %scan3A_180 = arith.addi %scan3A_178, %scan3A_179 : i32
    %scan3A_181 = arith.constant 1 : i32
    scf.for %scan3A_375 = %scan3A_178 to %scan3A_180 step %scan3A_181  : i32 {
      %mul3A_376 = arith.constant 2 : i32
      %mul3A_377 = arith.muli %scan3A_375, %mul3A_376 : i32
      %add3A_378 = arith.constant 0 : i32
      %add3A_379 = arith.addi %mul3A_377, %add3A_378 : i32
      %add3A_380 = arith.addi %mul3A_2, %add3A_379 : i32
      %jit3A_381 = arith.constant 8 : i32
      %div3A_382 = arith.divsi %add3A_380, %jit3A_381 : i32
      %sign3A_383 = arith.constant 0 : i32
      %sign3A_384 = arith.cmpi sgt, %add3A_380, %sign3A_383 : i32
      %sign3A_385 = arith.extui %sign3A_384 : i1 to i32
      %sign3A_386 = arith.constant 0 : i32
      %sign3A_387 = arith.cmpi slt, %add3A_380, %sign3A_386 : i32
      %sign3A_388 = arith.extui %sign3A_387 : i1 to i32
      %sign3A_389 = arith.subi %sign3A_385, %sign3A_388 : i32
      %sign3A_390 = arith.constant 0 : i32
      %sign3A_391 = arith.cmpi sgt, %jit3A_381, %sign3A_390 : i32
      %sign3A_392 = arith.extui %sign3A_391 : i1 to i32
      %sign3A_393 = arith.constant 0 : i32
      %sign3A_394 = arith.cmpi slt, %jit3A_381, %sign3A_393 : i32
      %sign3A_395 = arith.extui %sign3A_394 : i1 to i32
      %sign3A_396 = arith.subi %sign3A_392, %sign3A_395 : i32
      %ne3A_397 = arith.cmpi ne, %sign3A_389, %sign3A_396 : i32
      %rem3A_398 = arith.remsi %add3A_380, %jit3A_381 : i32
      %ne3A_399 = arith.constant 0 : i32
      %ne3A_400 = arith.cmpi ne, %rem3A_398, %ne3A_399 : i32
      %and3A_401 = arith.andi %ne3A_397, %ne3A_400 : i1
      %sub3A_402 = arith.constant 1 : i32
      %sub3A_403 = arith.subi %div3A_382, %sub3A_402 : i32
      %select_n3A_404 = arith.select %and3A_401, %sub3A_403, %div3A_382 : i32
      %rem3A_405 = arith.constant 8 : i32
      %rem3A_406 = arith.remsi %add3A_380, %rem3A_405 : i32
      %jit3A_407 = arith.constant 8 : i32
      %div3A_408 = arith.divsi %select_n3A_404, %jit3A_407 : i32
      %sign3A_409 = arith.constant 0 : i32
      %sign3A_410 = arith.cmpi sgt, %select_n3A_404, %sign3A_409 : i32
      %sign3A_411 = arith.extui %sign3A_410 : i1 to i32
      %sign3A_412 = arith.constant 0 : i32
      %sign3A_413 = arith.cmpi slt, %select_n3A_404, %sign3A_412 : i32
      %sign3A_414 = arith.extui %sign3A_413 : i1 to i32
      %sign3A_415 = arith.subi %sign3A_411, %sign3A_414 : i32
      %sign3A_416 = arith.constant 0 : i32
      %sign3A_417 = arith.cmpi sgt, %jit3A_407, %sign3A_416 : i32
      %sign3A_418 = arith.extui %sign3A_417 : i1 to i32
      %sign3A_419 = arith.constant 0 : i32
      %sign3A_420 = arith.cmpi slt, %jit3A_407, %sign3A_419 : i32
      %sign3A_421 = arith.extui %sign3A_420 : i1 to i32
      %sign3A_422 = arith.subi %sign3A_418, %sign3A_421 : i32
      %ne3A_423 = arith.cmpi ne, %sign3A_415, %sign3A_422 : i32
      %rem3A_424 = arith.remsi %select_n3A_404, %jit3A_407 : i32
      %ne3A_425 = arith.constant 0 : i32
      %ne3A_426 = arith.cmpi ne, %rem3A_424, %ne3A_425 : i32
      %and3A_427 = arith.andi %ne3A_423, %ne3A_426 : i1
      %sub3A_428 = arith.constant 1 : i32
      %sub3A_429 = arith.subi %div3A_408, %sub3A_428 : i32
      %select_n3A_430 = arith.select %and3A_427, %sub3A_429, %div3A_408 : i32
      %mul3A_431 = arith.constant 64 : i32
      %mul3A_432 = arith.muli %select_n3A_430, %mul3A_431 : i32
      %mul3A_433 = arith.constant 8 : i32
      %mul3A_434 = arith.muli %rem3A_406, %mul3A_433 : i32
      %add3A_435 = arith.addi %mul3A_432, %mul3A_434 : i32
      %rem3A_436 = arith.constant 8 : i32
      %rem3A_437 = arith.remsi %select_n3A_404, %rem3A_436 : i32
      %add3A_438 = arith.addi %add3A_435, %rem3A_437 : i32
      %sub3A_439 = arith.subi %add3A_438, %mul3A_20 : i32
      %dma_wait3A_440 = arith.constant 0 : i32
      %dma_wait3A_441 = tpu.memref_slice %arg7[%sub3A_439, %dma_wait3A_440] : memref<128x128xi32, #tpu.memory_space<vmem>> -> memref<1x128xi32, #tpu.memory_space<vmem>>
      %dma_wait3A_442 = tpu.memref_squeeze %dma_wait3A_441 : memref<1x128xi32, #tpu.memory_space<vmem>> -> memref<128xi32, #tpu.memory_space<vmem>>
      %dma_wait3A_443 = arith.constant 0 : i32
      %dma_wait3A_444 = arith.constant 0 : i32
      %dma_wait3A_445 = tpu.memref_slice %arg3[%dma_wait3A_443, %dma_wait3A_444] : memref<100000x64xf32, #tpu.memory_space<hbm>> -> memref<100000x64xf32, #tpu.memory_space<hbm>>
      tpu.wait_indirect_dma semaphore(%arg13 : memref<!tpu.dma_semaphore, #tpu.memory_space<semaphore_mem>>) src(%dma_wait3A_445 : memref<100000x64xf32, #tpu.memory_space<hbm>>) dst(%arg8 : memref<128x64xf32, #tpu.memory_space<vmem>>)
      %ge3A = arith.constant 2 : i32
      %ge3A_446 = arith.cmpi sge, %add3A_379, %ge3A : i32
      %convert_element_type3A_447 = arith.extui %ge3A_446 : i1 to i32
      %cond3A_448 = arith.constant 0 : i32
      %cond3A_449 = arith.cmpi ne, %convert_element_type3A_447, %cond3A_448 : i32
      scf.if %cond3A_449 {
        %dma_wait3A_892 = arith.constant 0 : i32
        %dma_wait3A_893 = arith.constant 0 : i32
        %dma_wait3A_894 = tpu.memref_slice %arg10[%dma_wait3A_892, %dma_wait3A_893] : memref<64x129xf32, #tpu.memory_space<vmem>> -> memref<8x128xf32, #tpu.memory_space<vmem>>
        %dma_wait3A_895 = arith.constant 0 : i32
        %dma_wait3A_896 = arith.constant 0 : i32
        %dma_wait3A_897 = tpu.memref_slice %arg5[%dma_wait3A_895, %dma_wait3A_896] : memref<102400x128xf32, #tpu.memory_space<hbm>> -> memref<8x128xf32, #tpu.memory_space<hbm>>
        %dma_wait3A_898 = arith.constant 0 : i32
        %dma_wait3A_899 = arith.constant 0 : i32
        %dma_wait3A_900 = tpu.memref_slice %arg5[%dma_wait3A_898, %dma_wait3A_899] : memref<102400x128xf32, #tpu.memory_space<hbm>> -> memref<8x128xf32, #tpu.memory_space<hbm>>
        %dma_wait3A_901 = arith.constant 0 : i32
        %dma_wait3A_902 = arith.constant 0 : i32
        %dma_wait3A_903 = tpu.memref_slice %arg10[%dma_wait3A_901, %dma_wait3A_902] : memref<64x129xf32, #tpu.memory_space<vmem>> -> memref<8x128xf32, #tpu.memory_space<vmem>>
        tpu.wait_dma2 semaphore(%arg15 : memref<!tpu.dma_semaphore, #tpu.memory_space<semaphore_mem>>) src(%dma_wait3A_903 : memref<8x128xf32, #tpu.memory_space<vmem>>) dst(%dma_wait3A_900 : memref<8x128xf32, #tpu.memory_space<hbm>>)
        %dma_wait3A_904 = arith.constant 0 : i32
        %dma_wait3A_905 = arith.constant 0 : i32
        %dma_wait3A_906 = tpu.memref_slice %arg10[%dma_wait3A_904, %dma_wait3A_905] : memref<64x129xf32, #tpu.memory_space<vmem>> -> memref<8x128xf32, #tpu.memory_space<vmem>>
        %dma_wait3A_907 = arith.constant 0 : i32
        %dma_wait3A_908 = arith.constant 0 : i32
        %dma_wait3A_909 = tpu.memref_slice %arg5[%dma_wait3A_907, %dma_wait3A_908] : memref<102400x128xf32, #tpu.memory_space<hbm>> -> memref<8x128xf32, #tpu.memory_space<hbm>>
        %dma_wait3A_910 = arith.constant 0 : i32
        %dma_wait3A_911 = arith.constant 0 : i32
        %dma_wait3A_912 = tpu.memref_slice %arg5[%dma_wait3A_910, %dma_wait3A_911] : memref<102400x128xf32, #tpu.memory_space<hbm>> -> memref<8x128xf32, #tpu.memory_space<hbm>>
        %dma_wait3A_913 = arith.constant 0 : i32
        %dma_wait3A_914 = arith.constant 0 : i32
        %dma_wait3A_915 = tpu.memref_slice %arg10[%dma_wait3A_913, %dma_wait3A_914] : memref<64x129xf32, #tpu.memory_space<vmem>> -> memref<8x128xf32, #tpu.memory_space<vmem>>
        tpu.wait_dma2 semaphore(%arg15 : memref<!tpu.dma_semaphore, #tpu.memory_space<semaphore_mem>>) src(%dma_wait3A_915 : memref<8x128xf32, #tpu.memory_space<vmem>>) dst(%dma_wait3A_912 : memref<8x128xf32, #tpu.memory_space<hbm>>)
        %dma_wait3A_916 = arith.constant 0 : i32
        %dma_wait3A_917 = arith.constant 0 : i32
        %dma_wait3A_918 = tpu.memref_slice %arg10[%dma_wait3A_916, %dma_wait3A_917] : memref<64x129xf32, #tpu.memory_space<vmem>> -> memref<8x128xf32, #tpu.memory_space<vmem>>
        %dma_wait3A_919 = arith.constant 0 : i32
        %dma_wait3A_920 = arith.constant 0 : i32
        %dma_wait3A_921 = tpu.memref_slice %arg5[%dma_wait3A_919, %dma_wait3A_920] : memref<102400x128xf32, #tpu.memory_space<hbm>> -> memref<8x128xf32, #tpu.memory_space<hbm>>
        %dma_wait3A_922 = arith.constant 0 : i32
        %dma_wait3A_923 = arith.constant 0 : i32
        %dma_wait3A_924 = tpu.memref_slice %arg5[%dma_wait3A_922, %dma_wait3A_923] : memref<102400x128xf32, #tpu.memory_space<hbm>> -> memref<8x128xf32, #tpu.memory_space<hbm>>
        %dma_wait3A_925 = arith.constant 0 : i32
        %dma_wait3A_926 = arith.constant 0 : i32
        %dma_wait3A_927 = tpu.memref_slice %arg10[%dma_wait3A_925, %dma_wait3A_926] : memref<64x129xf32, #tpu.memory_space<vmem>> -> memref<8x128xf32, #tpu.memory_space<vmem>>
        tpu.wait_dma2 semaphore(%arg15 : memref<!tpu.dma_semaphore, #tpu.memory_space<semaphore_mem>>) src(%dma_wait3A_927 : memref<8x128xf32, #tpu.memory_space<vmem>>) dst(%dma_wait3A_924 : memref<8x128xf32, #tpu.memory_space<hbm>>)
        %dma_wait3A_928 = arith.constant 0 : i32
        %dma_wait3A_929 = arith.constant 0 : i32
        %dma_wait3A_930 = tpu.memref_slice %arg10[%dma_wait3A_928, %dma_wait3A_929] : memref<64x129xf32, #tpu.memory_space<vmem>> -> memref<8x128xf32, #tpu.memory_space<vmem>>
        %dma_wait3A_931 = arith.constant 0 : i32
        %dma_wait3A_932 = arith.constant 0 : i32
        %dma_wait3A_933 = tpu.memref_slice %arg5[%dma_wait3A_931, %dma_wait3A_932] : memref<102400x128xf32, #tpu.memory_space<hbm>> -> memref<8x128xf32, #tpu.memory_space<hbm>>
        %dma_wait3A_934 = arith.constant 0 : i32
        %dma_wait3A_935 = arith.constant 0 : i32
        %dma_wait3A_936 = tpu.memref_slice %arg5[%dma_wait3A_934, %dma_wait3A_935] : memref<102400x128xf32, #tpu.memory_space<hbm>> -> memref<8x128xf32, #tpu.memory_space<hbm>>
        %dma_wait3A_937 = arith.constant 0 : i32
        %dma_wait3A_938 = arith.constant 0 : i32
        %dma_wait3A_939 = tpu.memref_slice %arg10[%dma_wait3A_937, %dma_wait3A_938] : memref<64x129xf32, #tpu.memory_space<vmem>> -> memref<8x128xf32, #tpu.memory_space<vmem>>
        tpu.wait_dma2 semaphore(%arg15 : memref<!tpu.dma_semaphore, #tpu.memory_space<semaphore_mem>>) src(%dma_wait3A_939 : memref<8x128xf32, #tpu.memory_space<vmem>>) dst(%dma_wait3A_936 : memref<8x128xf32, #tpu.memory_space<hbm>>)
        %dma_wait3A_940 = arith.constant 0 : i32
        %dma_wait3A_941 = arith.constant 0 : i32
        %dma_wait3A_942 = tpu.memref_slice %arg10[%dma_wait3A_940, %dma_wait3A_941] : memref<64x129xf32, #tpu.memory_space<vmem>> -> memref<8x128xf32, #tpu.memory_space<vmem>>
        %dma_wait3A_943 = arith.constant 0 : i32
        %dma_wait3A_944 = arith.constant 0 : i32
        %dma_wait3A_945 = tpu.memref_slice %arg5[%dma_wait3A_943, %dma_wait3A_944] : memref<102400x128xf32, #tpu.memory_space<hbm>> -> memref<8x128xf32, #tpu.memory_space<hbm>>
        %dma_wait3A_946 = arith.constant 0 : i32
        %dma_wait3A_947 = arith.constant 0 : i32
        %dma_wait3A_948 = tpu.memref_slice %arg5[%dma_wait3A_946, %dma_wait3A_947] : memref<102400x128xf32, #tpu.memory_space<hbm>> -> memref<8x128xf32, #tpu.memory_space<hbm>>
        %dma_wait3A_949 = arith.constant 0 : i32
        %dma_wait3A_950 = arith.constant 0 : i32
        %dma_wait3A_951 = tpu.memref_slice %arg10[%dma_wait3A_949, %dma_wait3A_950] : memref<64x129xf32, #tpu.memory_space<vmem>> -> memref<8x128xf32, #tpu.memory_space<vmem>>
        tpu.wait_dma2 semaphore(%arg15 : memref<!tpu.dma_semaphore, #tpu.memory_space<semaphore_mem>>) src(%dma_wait3A_951 : memref<8x128xf32, #tpu.memory_space<vmem>>) dst(%dma_wait3A_948 : memref<8x128xf32, #tpu.memory_space<hbm>>)
        %dma_wait3A_952 = arith.constant 0 : i32
        %dma_wait3A_953 = arith.constant 0 : i32
        %dma_wait3A_954 = tpu.memref_slice %arg10[%dma_wait3A_952, %dma_wait3A_953] : memref<64x129xf32, #tpu.memory_space<vmem>> -> memref<8x128xf32, #tpu.memory_space<vmem>>
        %dma_wait3A_955 = arith.constant 0 : i32
        %dma_wait3A_956 = arith.constant 0 : i32
        %dma_wait3A_957 = tpu.memref_slice %arg5[%dma_wait3A_955, %dma_wait3A_956] : memref<102400x128xf32, #tpu.memory_space<hbm>> -> memref<8x128xf32, #tpu.memory_space<hbm>>
        %dma_wait3A_958 = arith.constant 0 : i32
        %dma_wait3A_959 = arith.constant 0 : i32
        %dma_wait3A_960 = tpu.memref_slice %arg5[%dma_wait3A_958, %dma_wait3A_959] : memref<102400x128xf32, #tpu.memory_space<hbm>> -> memref<8x128xf32, #tpu.memory_space<hbm>>
        %dma_wait3A_961 = arith.constant 0 : i32
        %dma_wait3A_962 = arith.constant 0 : i32
        %dma_wait3A_963 = tpu.memref_slice %arg10[%dma_wait3A_961, %dma_wait3A_962] : memref<64x129xf32, #tpu.memory_space<vmem>> -> memref<8x128xf32, #tpu.memory_space<vmem>>
        tpu.wait_dma2 semaphore(%arg15 : memref<!tpu.dma_semaphore, #tpu.memory_space<semaphore_mem>>) src(%dma_wait3A_963 : memref<8x128xf32, #tpu.memory_space<vmem>>) dst(%dma_wait3A_960 : memref<8x128xf32, #tpu.memory_space<hbm>>)
        %dma_wait3A_964 = arith.constant 0 : i32
        %dma_wait3A_965 = arith.constant 0 : i32
        %dma_wait3A_966 = tpu.memref_slice %arg10[%dma_wait3A_964, %dma_wait3A_965] : memref<64x129xf32, #tpu.memory_space<vmem>> -> memref<8x128xf32, #tpu.memory_space<vmem>>
        %dma_wait3A_967 = arith.constant 0 : i32
        %dma_wait3A_968 = arith.constant 0 : i32
        %dma_wait3A_969 = tpu.memref_slice %arg5[%dma_wait3A_967, %dma_wait3A_968] : memref<102400x128xf32, #tpu.memory_space<hbm>> -> memref<8x128xf32, #tpu.memory_space<hbm>>
        %dma_wait3A_970 = arith.constant 0 : i32
        %dma_wait3A_971 = arith.constant 0 : i32
        %dma_wait3A_972 = tpu.memref_slice %arg5[%dma_wait3A_970, %dma_wait3A_971] : memref<102400x128xf32, #tpu.memory_space<hbm>> -> memref<8x128xf32, #tpu.memory_space<hbm>>
        %dma_wait3A_973 = arith.constant 0 : i32
        %dma_wait3A_974 = arith.constant 0 : i32
        %dma_wait3A_975 = tpu.memref_slice %arg10[%dma_wait3A_973, %dma_wait3A_974] : memref<64x129xf32, #tpu.memory_space<vmem>> -> memref<8x128xf32, #tpu.memory_space<vmem>>
        tpu.wait_dma2 semaphore(%arg15 : memref<!tpu.dma_semaphore, #tpu.memory_space<semaphore_mem>>) src(%dma_wait3A_975 : memref<8x128xf32, #tpu.memory_space<vmem>>) dst(%dma_wait3A_972 : memref<8x128xf32, #tpu.memory_space<hbm>>)
        %dma_wait3A_976 = arith.constant 0 : i32
        %dma_wait3A_977 = arith.constant 0 : i32
        %dma_wait3A_978 = tpu.memref_slice %arg10[%dma_wait3A_976, %dma_wait3A_977] : memref<64x129xf32, #tpu.memory_space<vmem>> -> memref<8x128xf32, #tpu.memory_space<vmem>>
        %dma_wait3A_979 = arith.constant 0 : i32
        %dma_wait3A_980 = arith.constant 0 : i32
        %dma_wait3A_981 = tpu.memref_slice %arg5[%dma_wait3A_979, %dma_wait3A_980] : memref<102400x128xf32, #tpu.memory_space<hbm>> -> memref<8x128xf32, #tpu.memory_space<hbm>>
        %dma_wait3A_982 = arith.constant 0 : i32
        %dma_wait3A_983 = arith.constant 0 : i32
        %dma_wait3A_984 = tpu.memref_slice %arg5[%dma_wait3A_982, %dma_wait3A_983] : memref<102400x128xf32, #tpu.memory_space<hbm>> -> memref<8x128xf32, #tpu.memory_space<hbm>>
        %dma_wait3A_985 = arith.constant 0 : i32
        %dma_wait3A_986 = arith.constant 0 : i32
        %dma_wait3A_987 = tpu.memref_slice %arg10[%dma_wait3A_985, %dma_wait3A_986] : memref<64x129xf32, #tpu.memory_space<vmem>> -> memref<8x128xf32, #tpu.memory_space<vmem>>
        tpu.wait_dma2 semaphore(%arg15 : memref<!tpu.dma_semaphore, #tpu.memory_space<semaphore_mem>>) src(%dma_wait3A_987 : memref<8x128xf32, #tpu.memory_space<vmem>>) dst(%dma_wait3A_984 : memref<8x128xf32, #tpu.memory_space<hbm>>)
      } else {
      }
      %jit3A_450 = arith.constant 8 : i32
      %div3A_451 = arith.divsi %add3A_380, %jit3A_450 : i32
      %sign3A_452 = arith.constant 0 : i32
      %sign3A_453 = arith.cmpi sgt, %add3A_380, %sign3A_452 : i32
      %sign3A_454 = arith.extui %sign3A_453 : i1 to i32
      %sign3A_455 = arith.constant 0 : i32
      %sign3A_456 = arith.cmpi slt, %add3A_380, %sign3A_455 : i32
      %sign3A_457 = arith.extui %sign3A_456 : i1 to i32
      %sign3A_458 = arith.subi %sign3A_454, %sign3A_457 : i32
      %sign3A_459 = arith.constant 0 : i32
      %sign3A_460 = arith.cmpi sgt, %jit3A_450, %sign3A_459 : i32
      %sign3A_461 = arith.extui %sign3A_460 : i1 to i32
      %sign3A_462 = arith.constant 0 : i32
      %sign3A_463 = arith.cmpi slt, %jit3A_450, %sign3A_462 : i32
      %sign3A_464 = arith.extui %sign3A_463 : i1 to i32
      %sign3A_465 = arith.subi %sign3A_461, %sign3A_464 : i32
      %ne3A_466 = arith.cmpi ne, %sign3A_458, %sign3A_465 : i32
      %rem3A_467 = arith.remsi %add3A_380, %jit3A_450 : i32
      %ne3A_468 = arith.constant 0 : i32
      %ne3A_469 = arith.cmpi ne, %rem3A_467, %ne3A_468 : i32
      %and3A_470 = arith.andi %ne3A_466, %ne3A_469 : i1
      %sub3A_471 = arith.constant 1 : i32
      %sub3A_472 = arith.subi %div3A_451, %sub3A_471 : i32
      %select_n3A_473 = arith.select %and3A_470, %sub3A_472, %div3A_451 : i32
      %get3A = arith.index_cast %select_n3A_473 : i32 to index
      %get3A_474 = arith.constant 0 : index
      %get3A_475 = tpu.vector_load %arg6[%get3A, %get3A_474] {strides = array<i32>} : memref<200x64xf32, #tpu.memory_space<vmem>>, vector<16xf32>,
      %get3A_476 = arith.index_cast %select_n3A_473 : i32 to index
      %get3A_477 = arith.constant 16 : index
      %get3A_478 = tpu.vector_load %arg6[%get3A_476, %get3A_477] {strides = array<i32>} : memref<200x64xf32, #tpu.memory_space<vmem>>, vector<16xf32>,
      %get3A_479 = arith.index_cast %select_n3A_473 : i32 to index
      %get3A_480 = arith.constant 32 : index
      %get3A_481 = tpu.vector_load %arg6[%get3A_479, %get3A_480] {strides = array<i32>} : memref<200x64xf32, #tpu.memory_space<vmem>>, vector<16xf32>,
      %get3A_482 = arith.index_cast %select_n3A_473 : i32 to index
      %get3A_483 = arith.constant 48 : index
      %get3A_484 = tpu.vector_load %arg6[%get3A_482, %get3A_483] {strides = array<i32>} : memref<200x64xf32, #tpu.memory_space<vmem>>, vector<16xf32>,
      %add3A_485 = arith.constant 0 : i32
      %add3A_486 = vector.broadcast %add3A_485 : i32 to vector<16xi32>
      %add3A_487 = arith.addi %iota3A, %add3A_486 : vector<16xi32>
      %add3A_488 = arith.constant 16 : i32
      %add3A_489 = vector.broadcast %add3A_488 : i32 to vector<16xi32>
      %add3A_490 = arith.addi %iota3A, %add3A_489 : vector<16xi32>
      %add3A_491 = arith.constant 32 : i32
      %add3A_492 = vector.broadcast %add3A_491 : i32 to vector<16xi32>
      %add3A_493 = arith.addi %iota3A, %add3A_492 : vector<16xi32>
      %add3A_494 = arith.constant 48 : i32
      %add3A_495 = vector.broadcast %add3A_494 : i32 to vector<16xi32>
      %add3A_496 = arith.addi %iota3A, %add3A_495 : vector<16xi32>
      %parallel_loop3A = arith.constant 0 : i32
      %parallel_loop3A_497 = arith.constant 128 : i32
      %parallel_loop3A_498 = arith.constant 1 : i32
      scf.for %parallel_loop3A_892 = %parallel_loop3A to %parallel_loop3A_497 step %parallel_loop3A_498  : i32 {
        %parallel_loop3A_893 = vector.broadcast %parallel_loop3A_892 : i32 to vector<16xi32>
        %parallel_loop3A_894 = arith.index_cast %parallel_loop3A_892 : i32 to index
        %parallel_loop3A_895 = arith.constant 0 : index
        %parallel_loop3A_896 = tpu.vector_load %arg8[%parallel_loop3A_894, %parallel_loop3A_895] {strides = array<i32>} : memref<128x64xf32, #tpu.memory_space<vmem>>, vector<16xf32>,
        %parallel_loop3A_897 = arith.addf %parallel_loop3A_896, %get3A_475 : vector<16xf32>
        tpu.vector_store_idx %arg10[%add3A_487, %parallel_loop3A_893], %parallel_loop3A_897 : memref<64x129xf32, #tpu.memory_space<vmem>>[vector<16xi32>, vector<16xi32>], vector<16xf32>,
        %parallel_loop3A_898 = arith.index_cast %parallel_loop3A_892 : i32 to index
        %parallel_loop3A_899 = arith.constant 16 : index
        %parallel_loop3A_900 = tpu.vector_load %arg8[%parallel_loop3A_898, %parallel_loop3A_899] {strides = array<i32>} : memref<128x64xf32, #tpu.memory_space<vmem>>, vector<16xf32>,
        %parallel_loop3A_901 = arith.addf %parallel_loop3A_900, %get3A_478 : vector<16xf32>
        tpu.vector_store_idx %arg10[%add3A_490, %parallel_loop3A_893], %parallel_loop3A_901 : memref<64x129xf32, #tpu.memory_space<vmem>>[vector<16xi32>, vector<16xi32>], vector<16xf32>,
        %parallel_loop3A_902 = arith.index_cast %parallel_loop3A_892 : i32 to index
        %parallel_loop3A_903 = arith.constant 32 : index
        %parallel_loop3A_904 = tpu.vector_load %arg8[%parallel_loop3A_902, %parallel_loop3A_903] {strides = array<i32>} : memref<128x64xf32, #tpu.memory_space<vmem>>, vector<16xf32>,
        %parallel_loop3A_905 = arith.addf %parallel_loop3A_904, %get3A_481 : vector<16xf32>
        tpu.vector_store_idx %arg10[%add3A_493, %parallel_loop3A_893], %parallel_loop3A_905 : memref<64x129xf32, #tpu.memory_space<vmem>>[vector<16xi32>, vector<16xi32>], vector<16xf32>,
        %parallel_loop3A_906 = arith.index_cast %parallel_loop3A_892 : i32 to index
        %parallel_loop3A_907 = arith.constant 48 : index
        %parallel_loop3A_908 = tpu.vector_load %arg8[%parallel_loop3A_906, %parallel_loop3A_907] {strides = array<i32>} : memref<128x64xf32, #tpu.memory_space<vmem>>, vector<16xf32>,
        %parallel_loop3A_909 = arith.addf %parallel_loop3A_908, %get3A_484 : vector<16xf32>
        tpu.vector_store_idx %arg10[%add3A_496, %parallel_loop3A_893], %parallel_loop3A_909 : memref<64x129xf32, #tpu.memory_space<vmem>>[vector<16xi32>, vector<16xi32>], vector<16xf32>,
      } {sc.loop_unroll_factor = 2 : i64, sc.parallel_access}
      %jit3A_499 = arith.constant 8 : i32
      %div3A_500 = arith.divsi %add3A_380, %jit3A_499 : i32
      %sign3A_501 = arith.constant 0 : i32
      %sign3A_502 = arith.cmpi sgt, %add3A_380, %sign3A_501 : i32
      %sign3A_503 = arith.extui %sign3A_502 : i1 to i32
      %sign3A_504 = arith.constant 0 : i32
      %sign3A_505 = arith.cmpi slt, %add3A_380, %sign3A_504 : i32
      %sign3A_506 = arith.extui %sign3A_505 : i1 to i32
      %sign3A_507 = arith.subi %sign3A_503, %sign3A_506 : i32
      %sign3A_508 = arith.constant 0 : i32
      %sign3A_509 = arith.cmpi sgt, %jit3A_499, %sign3A_508 : i32
      %sign3A_510 = arith.extui %sign3A_509 : i1 to i32
      %sign3A_511 = arith.constant 0 : i32
      %sign3A_512 = arith.cmpi slt, %jit3A_499, %sign3A_511 : i32
      %sign3A_513 = arith.extui %sign3A_512 : i1 to i32
      %sign3A_514 = arith.subi %sign3A_510, %sign3A_513 : i32
      %ne3A_515 = arith.cmpi ne, %sign3A_507, %sign3A_514 : i32
      %rem3A_516 = arith.remsi %add3A_380, %jit3A_499 : i32
      %ne3A_517 = arith.constant 0 : i32
      %ne3A_518 = arith.cmpi ne, %rem3A_516, %ne3A_517 : i32
      %and3A_519 = arith.andi %ne3A_515, %ne3A_518 : i1
      %sub3A_520 = arith.constant 1 : i32
      %sub3A_521 = arith.subi %div3A_500, %sub3A_520 : i32
      %select_n3A_522 = arith.select %and3A_519, %sub3A_521, %div3A_500 : i32
      %rem3A_523 = arith.constant 8 : i32
      %rem3A_524 = arith.remsi %add3A_380, %rem3A_523 : i32
      %mul3A_525 = arith.constant 512 : i32
      %mul3A_526 = arith.muli %select_n3A_522, %mul3A_525 : i32
      %mul3A_527 = arith.constant 8 : i32
      %mul3A_528 = arith.muli %rem3A_524, %mul3A_527 : i32
      %add3A_529 = arith.addi %mul3A_526, %mul3A_528 : i32
      %add3A_530 = arith.constant 0 : i32
      %add3A_531 = arith.addi %add3A_529, %add3A_530 : i32
      %dma_start3A_532 = arith.constant 0 : i32
      %dma_start3A_533 = arith.constant 0 : i32
      %dma_start3A_534 = tpu.memref_slice %arg10[%dma_start3A_532, %dma_start3A_533] : memref<64x129xf32, #tpu.memory_space<vmem>> -> memref<8x128xf32, #tpu.memory_space<vmem>>
      %dma_start3A_535 = arith.constant 0 : i32
      %dma_start3A_536 = tpu.memref_slice %arg5[%add3A_531, %dma_start3A_535] : memref<102400x128xf32, #tpu.memory_space<hbm>> -> memref<8x128xf32, #tpu.memory_space<hbm>>
      %dma_start3A_537 = arith.constant 0 : i32
      %dma_start3A_538 = tpu.memref_slice %arg5[%add3A_531, %dma_start3A_537] : memref<102400x128xf32, #tpu.memory_space<hbm>> -> memref<8x128xf32, #tpu.memory_space<hbm>>
      %dma_start3A_539 = arith.constant 0 : i32
      %dma_start3A_540 = arith.constant 0 : i32
      %dma_start3A_541 = tpu.memref_slice %arg10[%dma_start3A_539, %dma_start3A_540] : memref<64x129xf32, #tpu.memory_space<vmem>> -> memref<8x128xf32, #tpu.memory_space<vmem>>
      tpu.enqueue_dma source(%dma_start3A_541 : memref<8x128xf32, #tpu.memory_space<vmem>>) target(%dma_start3A_538 : memref<8x128xf32, #tpu.memory_space<hbm>>) target_semaphore(%arg15 : memref<!tpu.dma_semaphore, #tpu.memory_space<semaphore_mem>>)
      %add3A_542 = arith.constant 64 : i32
      %add3A_543 = arith.addi %add3A_529, %add3A_542 : i32
      %dma_start3A_544 = arith.constant 8 : i32
      %dma_start3A_545 = arith.constant 0 : i32
      %dma_start3A_546 = tpu.memref_slice %arg10[%dma_start3A_544, %dma_start3A_545] : memref<64x129xf32, #tpu.memory_space<vmem>> -> memref<8x128xf32, #tpu.memory_space<vmem>>
      %dma_start3A_547 = arith.constant 0 : i32
      %dma_start3A_548 = tpu.memref_slice %arg5[%add3A_543, %dma_start3A_547] : memref<102400x128xf32, #tpu.memory_space<hbm>> -> memref<8x128xf32, #tpu.memory_space<hbm>>
      %dma_start3A_549 = arith.constant 0 : i32
      %dma_start3A_550 = tpu.memref_slice %arg5[%add3A_543, %dma_start3A_549] : memref<102400x128xf32, #tpu.memory_space<hbm>> -> memref<8x128xf32, #tpu.memory_space<hbm>>
      %dma_start3A_551 = arith.constant 8 : i32
      %dma_start3A_552 = arith.constant 0 : i32
      %dma_start3A_553 = tpu.memref_slice %arg10[%dma_start3A_551, %dma_start3A_552] : memref<64x129xf32, #tpu.memory_space<vmem>> -> memref<8x128xf32, #tpu.memory_space<vmem>>
      tpu.enqueue_dma source(%dma_start3A_553 : memref<8x128xf32, #tpu.memory_space<vmem>>) target(%dma_start3A_550 : memref<8x128xf32, #tpu.memory_space<hbm>>) target_semaphore(%arg15 : memref<!tpu.dma_semaphore, #tpu.memory_space<semaphore_mem>>)
      %add3A_554 = arith.constant 128 : i32
      %add3A_555 = arith.addi %add3A_529, %add3A_554 : i32
      %dma_start3A_556 = arith.constant 16 : i32
      %dma_start3A_557 = arith.constant 0 : i32
      %dma_start3A_558 = tpu.memref_slice %arg10[%dma_start3A_556, %dma_start3A_557] : memref<64x129xf32, #tpu.memory_space<vmem>> -> memref<8x128xf32, #tpu.memory_space<vmem>>
      %dma_start3A_559 = arith.constant 0 : i32
      %dma_start3A_560 = tpu.memref_slice %arg5[%add3A_555, %dma_start3A_559] : memref<102400x128xf32, #tpu.memory_space<hbm>> -> memref<8x128xf32, #tpu.memory_space<hbm>>
      %dma_start3A_561 = arith.constant 0 : i32
      %dma_start3A_562 = tpu.memref_slice %arg5[%add3A_555, %dma_start3A_561] : memref<102400x128xf32, #tpu.memory_space<hbm>> -> memref<8x128xf32, #tpu.memory_space<hbm>>
      %dma_start3A_563 = arith.constant 16 : i32
      %dma_start3A_564 = arith.constant 0 : i32
      %dma_start3A_565 = tpu.memref_slice %arg10[%dma_start3A_563, %dma_start3A_564] : memref<64x129xf32, #tpu.memory_space<vmem>> -> memref<8x128xf32, #tpu.memory_space<vmem>>
      tpu.enqueue_dma source(%dma_start3A_565 : memref<8x128xf32, #tpu.memory_space<vmem>>) target(%dma_start3A_562 : memref<8x128xf32, #tpu.memory_space<hbm>>) target_semaphore(%arg15 : memref<!tpu.dma_semaphore, #tpu.memory_space<semaphore_mem>>)
      %add3A_566 = arith.constant 192 : i32
      %add3A_567 = arith.addi %add3A_529, %add3A_566 : i32
      %dma_start3A_568 = arith.constant 24 : i32
      %dma_start3A_569 = arith.constant 0 : i32
      %dma_start3A_570 = tpu.memref_slice %arg10[%dma_start3A_568, %dma_start3A_569] : memref<64x129xf32, #tpu.memory_space<vmem>> -> memref<8x128xf32, #tpu.memory_space<vmem>>
      %dma_start3A_571 = arith.constant 0 : i32
      %dma_start3A_572 = tpu.memref_slice %arg5[%add3A_567, %dma_start3A_571] : memref<102400x128xf32, #tpu.memory_space<hbm>> -> memref<8x128xf32, #tpu.memory_space<hbm>>
      %dma_start3A_573 = arith.constant 0 : i32
      %dma_start3A_574 = tpu.memref_slice %arg5[%add3A_567, %dma_start3A_573] : memref<102400x128xf32, #tpu.memory_space<hbm>> -> memref<8x128xf32, #tpu.memory_space<hbm>>
      %dma_start3A_575 = arith.constant 24 : i32
      %dma_start3A_576 = arith.constant 0 : i32
      %dma_start3A_577 = tpu.memref_slice %arg10[%dma_start3A_575, %dma_start3A_576] : memref<64x129xf32, #tpu.memory_space<vmem>> -> memref<8x128xf32, #tpu.memory_space<vmem>>
      tpu.enqueue_dma source(%dma_start3A_577 : memref<8x128xf32, #tpu.memory_space<vmem>>) target(%dma_start3A_574 : memref<8x128xf32, #tpu.memory_space<hbm>>) target_semaphore(%arg15 : memref<!tpu.dma_semaphore, #tpu.memory_space<semaphore_mem>>)
      %add3A_578 = arith.constant 256 : i32
      %add3A_579 = arith.addi %add3A_529, %add3A_578 : i32
      %dma_start3A_580 = arith.constant 32 : i32
      %dma_start3A_581 = arith.constant 0 : i32
      %dma_start3A_582 = tpu.memref_slice %arg10[%dma_start3A_580, %dma_start3A_581] : memref<64x129xf32, #tpu.memory_space<vmem>> -> memref<8x128xf32, #tpu.memory_space<vmem>>
      %dma_start3A_583 = arith.constant 0 : i32
      %dma_start3A_584 = tpu.memref_slice %arg5[%add3A_579, %dma_start3A_583] : memref<102400x128xf32, #tpu.memory_space<hbm>> -> memref<8x128xf32, #tpu.memory_space<hbm>>
      %dma_start3A_585 = arith.constant 0 : i32
      %dma_start3A_586 = tpu.memref_slice %arg5[%add3A_579, %dma_start3A_585] : memref<102400x128xf32, #tpu.memory_space<hbm>> -> memref<8x128xf32, #tpu.memory_space<hbm>>
      %dma_start3A_587 = arith.constant 32 : i32
      %dma_start3A_588 = arith.constant 0 : i32
      %dma_start3A_589 = tpu.memref_slice %arg10[%dma_start3A_587, %dma_start3A_588] : memref<64x129xf32, #tpu.memory_space<vmem>> -> memref<8x128xf32, #tpu.memory_space<vmem>>
      tpu.enqueue_dma source(%dma_start3A_589 : memref<8x128xf32, #tpu.memory_space<vmem>>) target(%dma_start3A_586 : memref<8x128xf32, #tpu.memory_space<hbm>>) target_semaphore(%arg15 : memref<!tpu.dma_semaphore, #tpu.memory_space<semaphore_mem>>)
      %add3A_590 = arith.constant 320 : i32
      %add3A_591 = arith.addi %add3A_529, %add3A_590 : i32
      %dma_start3A_592 = arith.constant 40 : i32
      %dma_start3A_593 = arith.constant 0 : i32
      %dma_start3A_594 = tpu.memref_slice %arg10[%dma_start3A_592, %dma_start3A_593] : memref<64x129xf32, #tpu.memory_space<vmem>> -> memref<8x128xf32, #tpu.memory_space<vmem>>
      %dma_start3A_595 = arith.constant 0 : i32
      %dma_start3A_596 = tpu.memref_slice %arg5[%add3A_591, %dma_start3A_595] : memref<102400x128xf32, #tpu.memory_space<hbm>> -> memref<8x128xf32, #tpu.memory_space<hbm>>
      %dma_start3A_597 = arith.constant 0 : i32
      %dma_start3A_598 = tpu.memref_slice %arg5[%add3A_591, %dma_start3A_597] : memref<102400x128xf32, #tpu.memory_space<hbm>> -> memref<8x128xf32, #tpu.memory_space<hbm>>
      %dma_start3A_599 = arith.constant 40 : i32
      %dma_start3A_600 = arith.constant 0 : i32
      %dma_start3A_601 = tpu.memref_slice %arg10[%dma_start3A_599, %dma_start3A_600] : memref<64x129xf32, #tpu.memory_space<vmem>> -> memref<8x128xf32, #tpu.memory_space<vmem>>
      tpu.enqueue_dma source(%dma_start3A_601 : memref<8x128xf32, #tpu.memory_space<vmem>>) target(%dma_start3A_598 : memref<8x128xf32, #tpu.memory_space<hbm>>) target_semaphore(%arg15 : memref<!tpu.dma_semaphore, #tpu.memory_space<semaphore_mem>>)
      %add3A_602 = arith.constant 384 : i32
      %add3A_603 = arith.addi %add3A_529, %add3A_602 : i32
      %dma_start3A_604 = arith.constant 48 : i32
      %dma_start3A_605 = arith.constant 0 : i32
      %dma_start3A_606 = tpu.memref_slice %arg10[%dma_start3A_604, %dma_start3A_605] : memref<64x129xf32, #tpu.memory_space<vmem>> -> memref<8x128xf32, #tpu.memory_space<vmem>>
      %dma_start3A_607 = arith.constant 0 : i32
      %dma_start3A_608 = tpu.memref_slice %arg5[%add3A_603, %dma_start3A_607] : memref<102400x128xf32, #tpu.memory_space<hbm>> -> memref<8x128xf32, #tpu.memory_space<hbm>>
      %dma_start3A_609 = arith.constant 0 : i32
      %dma_start3A_610 = tpu.memref_slice %arg5[%add3A_603, %dma_start3A_609] : memref<102400x128xf32, #tpu.memory_space<hbm>> -> memref<8x128xf32, #tpu.memory_space<hbm>>
      %dma_start3A_611 = arith.constant 48 : i32
      %dma_start3A_612 = arith.constant 0 : i32
      %dma_start3A_613 = tpu.memref_slice %arg10[%dma_start3A_611, %dma_start3A_612] : memref<64x129xf32, #tpu.memory_space<vmem>> -> memref<8x128xf32, #tpu.memory_space<vmem>>
      tpu.enqueue_dma source(%dma_start3A_613 : memref<8x128xf32, #tpu.memory_space<vmem>>) target(%dma_start3A_610 : memref<8x128xf32, #tpu.memory_space<hbm>>) target_semaphore(%arg15 : memref<!tpu.dma_semaphore, #tpu.memory_space<semaphore_mem>>)
      %add3A_614 = arith.constant 448 : i32
      %add3A_615 = arith.addi %add3A_529, %add3A_614 : i32
      %dma_start3A_616 = arith.constant 56 : i32
      %dma_start3A_617 = arith.constant 0 : i32
      %dma_start3A_618 = tpu.memref_slice %arg10[%dma_start3A_616, %dma_start3A_617] : memref<64x129xf32, #tpu.memory_space<vmem>> -> memref<8x128xf32, #tpu.memory_space<vmem>>
      %dma_start3A_619 = arith.constant 0 : i32
      %dma_start3A_620 = tpu.memref_slice %arg5[%add3A_615, %dma_start3A_619] : memref<102400x128xf32, #tpu.memory_space<hbm>> -> memref<8x128xf32, #tpu.memory_space<hbm>>
      %dma_start3A_621 = arith.constant 0 : i32
      %dma_start3A_622 = tpu.memref_slice %arg5[%add3A_615, %dma_start3A_621] : memref<102400x128xf32, #tpu.memory_space<hbm>> -> memref<8x128xf32, #tpu.memory_space<hbm>>
      %dma_start3A_623 = arith.constant 56 : i32
      %dma_start3A_624 = arith.constant 0 : i32
      %dma_start3A_625 = tpu.memref_slice %arg10[%dma_start3A_623, %dma_start3A_624] : memref<64x129xf32, #tpu.memory_space<vmem>> -> memref<8x128xf32, #tpu.memory_space<vmem>>
      tpu.enqueue_dma source(%dma_start3A_625 : memref<8x128xf32, #tpu.memory_space<vmem>>) target(%dma_start3A_622 : memref<8x128xf32, #tpu.memory_space<hbm>>) target_semaphore(%arg15 : memref<!tpu.dma_semaphore, #tpu.memory_space<semaphore_mem>>)
      %add3A_626 = arith.constant 2 : i32
      %add3A_627 = arith.addi %add3A_379, %add3A_626 : i32
      %lt3A = arith.constant 50 : i32
      %lt3A_628 = arith.cmpi slt, %add3A_627, %lt3A : i32
      %convert_element_type3A_629 = arith.extui %lt3A_628 : i1 to i32
      %cond3A_630 = arith.constant 0 : i32
      %cond3A_631 = arith.cmpi ne, %convert_element_type3A_629, %cond3A_630 : i32
      scf.if %cond3A_631 {
        %add3A_892 = arith.constant 2 : i32
        %add3A_893 = arith.addi %add3A_380, %add3A_892 : i32
        %jit3A_894 = arith.constant 8 : i32
        %div3A_895 = arith.divsi %add3A_893, %jit3A_894 : i32
        %sign3A_896 = arith.constant 0 : i32
        %sign3A_897 = arith.cmpi sgt, %add3A_893, %sign3A_896 : i32
        %sign3A_898 = arith.extui %sign3A_897 : i1 to i32
        %sign3A_899 = arith.constant 0 : i32
        %sign3A_900 = arith.cmpi slt, %add3A_893, %sign3A_899 : i32
        %sign3A_901 = arith.extui %sign3A_900 : i1 to i32
        %sign3A_902 = arith.subi %sign3A_898, %sign3A_901 : i32
        %sign3A_903 = arith.constant 0 : i32
        %sign3A_904 = arith.cmpi sgt, %jit3A_894, %sign3A_903 : i32
        %sign3A_905 = arith.extui %sign3A_904 : i1 to i32
        %sign3A_906 = arith.constant 0 : i32
        %sign3A_907 = arith.cmpi slt, %jit3A_894, %sign3A_906 : i32
        %sign3A_908 = arith.extui %sign3A_907 : i1 to i32
        %sign3A_909 = arith.subi %sign3A_905, %sign3A_908 : i32
        %ne3A_910 = arith.cmpi ne, %sign3A_902, %sign3A_909 : i32
        %rem3A_911 = arith.remsi %add3A_893, %jit3A_894 : i32
        %ne3A_912 = arith.constant 0 : i32
        %ne3A_913 = arith.cmpi ne, %rem3A_911, %ne3A_912 : i32
        %and3A_914 = arith.andi %ne3A_910, %ne3A_913 : i1
        %sub3A_915 = arith.constant 1 : i32
        %sub3A_916 = arith.subi %div3A_895, %sub3A_915 : i32
        %select_n3A_917 = arith.select %and3A_914, %sub3A_916, %div3A_895 : i32
        %rem3A_918 = arith.constant 8 : i32
        %rem3A_919 = arith.remsi %add3A_893, %rem3A_918 : i32
        %jit3A_920 = arith.constant 8 : i32
        %div3A_921 = arith.divsi %select_n3A_917, %jit3A_920 : i32
        %sign3A_922 = arith.constant 0 : i32
        %sign3A_923 = arith.cmpi sgt, %select_n3A_917, %sign3A_922 : i32
        %sign3A_924 = arith.extui %sign3A_923 : i1 to i32
        %sign3A_925 = arith.constant 0 : i32
        %sign3A_926 = arith.cmpi slt, %select_n3A_917, %sign3A_925 : i32
        %sign3A_927 = arith.extui %sign3A_926 : i1 to i32
        %sign3A_928 = arith.subi %sign3A_924, %sign3A_927 : i32
        %sign3A_929 = arith.constant 0 : i32
        %sign3A_930 = arith.cmpi sgt, %jit3A_920, %sign3A_929 : i32
        %sign3A_931 = arith.extui %sign3A_930 : i1 to i32
        %sign3A_932 = arith.constant 0 : i32
        %sign3A_933 = arith.cmpi slt, %jit3A_920, %sign3A_932 : i32
        %sign3A_934 = arith.extui %sign3A_933 : i1 to i32
        %sign3A_935 = arith.subi %sign3A_931, %sign3A_934 : i32
        %ne3A_936 = arith.cmpi ne, %sign3A_928, %sign3A_935 : i32
        %rem3A_937 = arith.remsi %select_n3A_917, %jit3A_920 : i32
        %ne3A_938 = arith.constant 0 : i32
        %ne3A_939 = arith.cmpi ne, %rem3A_937, %ne3A_938 : i32
        %and3A_940 = arith.andi %ne3A_936, %ne3A_939 : i1
        %sub3A_941 = arith.constant 1 : i32
        %sub3A_942 = arith.subi %div3A_921, %sub3A_941 : i32
        %select_n3A_943 = arith.select %and3A_940, %sub3A_942, %div3A_921 : i32
        %mul3A_944 = arith.constant 64 : i32
        %mul3A_945 = arith.muli %select_n3A_943, %mul3A_944 : i32
        %mul3A_946 = arith.constant 8 : i32
        %mul3A_947 = arith.muli %rem3A_919, %mul3A_946 : i32
        %add3A_948 = arith.addi %mul3A_945, %mul3A_947 : i32
        %rem3A_949 = arith.constant 8 : i32
        %rem3A_950 = arith.remsi %select_n3A_917, %rem3A_949 : i32
        %add3A_951 = arith.addi %add3A_948, %rem3A_950 : i32
        %sub3A_952 = arith.subi %add3A_951, %mul3A_20 : i32
        %dma_start3A_953 = arith.constant 0 : i32
        %dma_start3A_954 = tpu.memref_slice %arg7[%sub3A_952, %dma_start3A_953] : memref<128x128xi32, #tpu.memory_space<vmem>> -> memref<1x128xi32, #tpu.memory_space<vmem>>
        %dma_start3A_955 = tpu.memref_squeeze %dma_start3A_954 : memref<1x128xi32, #tpu.memory_space<vmem>> -> memref<128xi32, #tpu.memory_space<vmem>>
        %dma_start3A_956 = arith.constant 0 : i32
        %dma_start3A_957 = arith.constant 0 : i32
        %dma_start3A_958 = tpu.memref_slice %arg3[%dma_start3A_956, %dma_start3A_957] : memref<100000x64xf32, #tpu.memory_space<hbm>> -> memref<100000x64xf32, #tpu.memory_space<hbm>>
        tpu.enqueue_indirect_dma source(%dma_start3A_958 : memref<100000x64xf32, #tpu.memory_space<hbm>>) target(%arg8 : memref<128x64xf32, #tpu.memory_space<vmem>>) offsets(%dma_start3A_955 : memref<128xi32, #tpu.memory_space<vmem>>) semaphore(%arg13 : memref<!tpu.dma_semaphore, #tpu.memory_space<semaphore_mem>>)
      } else {
      }
      %mul3A_632 = arith.constant 2 : i32
      %mul3A_633 = arith.muli %scan3A_375, %mul3A_632 : i32
      %add3A_634 = arith.constant 1 : i32
      %add3A_635 = arith.addi %mul3A_633, %add3A_634 : i32
      %add3A_636 = arith.addi %mul3A_2, %add3A_635 : i32
      %jit3A_637 = arith.constant 8 : i32
      %div3A_638 = arith.divsi %add3A_636, %jit3A_637 : i32
      %sign3A_639 = arith.constant 0 : i32
      %sign3A_640 = arith.cmpi sgt, %add3A_636, %sign3A_639 : i32
      %sign3A_641 = arith.extui %sign3A_640 : i1 to i32
      %sign3A_642 = arith.constant 0 : i32
      %sign3A_643 = arith.cmpi slt, %add3A_636, %sign3A_642 : i32
      %sign3A_644 = arith.extui %sign3A_643 : i1 to i32
      %sign3A_645 = arith.subi %sign3A_641, %sign3A_644 : i32
      %sign3A_646 = arith.constant 0 : i32
      %sign3A_647 = arith.cmpi sgt, %jit3A_637, %sign3A_646 : i32
      %sign3A_648 = arith.extui %sign3A_647 : i1 to i32
      %sign3A_649 = arith.constant 0 : i32
      %sign3A_650 = arith.cmpi slt, %jit3A_637, %sign3A_649 : i32
      %sign3A_651 = arith.extui %sign3A_650 : i1 to i32
      %sign3A_652 = arith.subi %sign3A_648, %sign3A_651 : i32
      %ne3A_653 = arith.cmpi ne, %sign3A_645, %sign3A_652 : i32
      %rem3A_654 = arith.remsi %add3A_636, %jit3A_637 : i32
      %ne3A_655 = arith.constant 0 : i32
      %ne3A_656 = arith.cmpi ne, %rem3A_654, %ne3A_655 : i32
      %and3A_657 = arith.andi %ne3A_653, %ne3A_656 : i1
      %sub3A_658 = arith.constant 1 : i32
      %sub3A_659 = arith.subi %div3A_638, %sub3A_658 : i32
      %select_n3A_660 = arith.select %and3A_657, %sub3A_659, %div3A_638 : i32
      %rem3A_661 = arith.constant 8 : i32
      %rem3A_662 = arith.remsi %add3A_636, %rem3A_661 : i32
      %jit3A_663 = arith.constant 8 : i32
      %div3A_664 = arith.divsi %select_n3A_660, %jit3A_663 : i32
      %sign3A_665 = arith.constant 0 : i32
      %sign3A_666 = arith.cmpi sgt, %select_n3A_660, %sign3A_665 : i32
      %sign3A_667 = arith.extui %sign3A_666 : i1 to i32
      %sign3A_668 = arith.constant 0 : i32
      %sign3A_669 = arith.cmpi slt, %select_n3A_660, %sign3A_668 : i32
      %sign3A_670 = arith.extui %sign3A_669 : i1 to i32
      %sign3A_671 = arith.subi %sign3A_667, %sign3A_670 : i32
      %sign3A_672 = arith.constant 0 : i32
      %sign3A_673 = arith.cmpi sgt, %jit3A_663, %sign3A_672 : i32
      %sign3A_674 = arith.extui %sign3A_673 : i1 to i32
      %sign3A_675 = arith.constant 0 : i32
      %sign3A_676 = arith.cmpi slt, %jit3A_663, %sign3A_675 : i32
      %sign3A_677 = arith.extui %sign3A_676 : i1 to i32
      %sign3A_678 = arith.subi %sign3A_674, %sign3A_677 : i32
      %ne3A_679 = arith.cmpi ne, %sign3A_671, %sign3A_678 : i32
      %rem3A_680 = arith.remsi %select_n3A_660, %jit3A_663 : i32
      %ne3A_681 = arith.constant 0 : i32
      %ne3A_682 = arith.cmpi ne, %rem3A_680, %ne3A_681 : i32
      %and3A_683 = arith.andi %ne3A_679, %ne3A_682 : i1
      %sub3A_684 = arith.constant 1 : i32
      %sub3A_685 = arith.subi %div3A_664, %sub3A_684 : i32
      %select_n3A_686 = arith.select %and3A_683, %sub3A_685, %div3A_664 : i32
      %mul3A_687 = arith.constant 64 : i32
      %mul3A_688 = arith.muli %select_n3A_686, %mul3A_687 : i32
      %mul3A_689 = arith.constant 8 : i32
      %mul3A_690 = arith.muli %rem3A_662, %mul3A_689 : i32
      %add3A_691 = arith.addi %mul3A_688, %mul3A_690 : i32
      %rem3A_692 = arith.constant 8 : i32
      %rem3A_693 = arith.remsi %select_n3A_660, %rem3A_692 : i32
      %add3A_694 = arith.addi %add3A_691, %rem3A_693 : i32
      %sub3A_695 = arith.subi %add3A_694, %mul3A_20 : i32
      %dma_wait3A_696 = arith.constant 0 : i32
      %dma_wait3A_697 = tpu.memref_slice %arg7[%sub3A_695, %dma_wait3A_696] : memref<128x128xi32, #tpu.memory_space<vmem>> -> memref<1x128xi32, #tpu.memory_space<vmem>>
      %dma_wait3A_698 = tpu.memref_squeeze %dma_wait3A_697 : memref<1x128xi32, #tpu.memory_space<vmem>> -> memref<128xi32, #tpu.memory_space<vmem>>
      %dma_wait3A_699 = arith.constant 0 : i32
      %dma_wait3A_700 = arith.constant 0 : i32
      %dma_wait3A_701 = tpu.memref_slice %arg3[%dma_wait3A_699, %dma_wait3A_700] : memref<100000x64xf32, #tpu.memory_space<hbm>> -> memref<100000x64xf32, #tpu.memory_space<hbm>>
      tpu.wait_indirect_dma semaphore(%arg14 : memref<!tpu.dma_semaphore, #tpu.memory_space<semaphore_mem>>) src(%dma_wait3A_701 : memref<100000x64xf32, #tpu.memory_space<hbm>>) dst(%arg9 : memref<128x64xf32, #tpu.memory_space<vmem>>)
      %ge3A_702 = arith.constant 2 : i32
      %ge3A_703 = arith.cmpi sge, %add3A_635, %ge3A_702 : i32
      %convert_element_type3A_704 = arith.extui %ge3A_703 : i1 to i32
      %cond3A_705 = arith.constant 0 : i32
      %cond3A_706 = arith.cmpi ne, %convert_element_type3A_704, %cond3A_705 : i32
      scf.if %cond3A_706 {
        %dma_wait3A_892 = arith.constant 0 : i32
        %dma_wait3A_893 = arith.constant 0 : i32
        %dma_wait3A_894 = tpu.memref_slice %arg11[%dma_wait3A_892, %dma_wait3A_893] : memref<64x129xf32, #tpu.memory_space<vmem>> -> memref<8x128xf32, #tpu.memory_space<vmem>>
        %dma_wait3A_895 = arith.constant 0 : i32
        %dma_wait3A_896 = arith.constant 0 : i32
        %dma_wait3A_897 = tpu.memref_slice %arg5[%dma_wait3A_895, %dma_wait3A_896] : memref<102400x128xf32, #tpu.memory_space<hbm>> -> memref<8x128xf32, #tpu.memory_space<hbm>>
        %dma_wait3A_898 = arith.constant 0 : i32
        %dma_wait3A_899 = arith.constant 0 : i32
        %dma_wait3A_900 = tpu.memref_slice %arg5[%dma_wait3A_898, %dma_wait3A_899] : memref<102400x128xf32, #tpu.memory_space<hbm>> -> memref<8x128xf32, #tpu.memory_space<hbm>>
        %dma_wait3A_901 = arith.constant 0 : i32
        %dma_wait3A_902 = arith.constant 0 : i32
        %dma_wait3A_903 = tpu.memref_slice %arg11[%dma_wait3A_901, %dma_wait3A_902] : memref<64x129xf32, #tpu.memory_space<vmem>> -> memref<8x128xf32, #tpu.memory_space<vmem>>
        tpu.wait_dma2 semaphore(%arg16 : memref<!tpu.dma_semaphore, #tpu.memory_space<semaphore_mem>>) src(%dma_wait3A_903 : memref<8x128xf32, #tpu.memory_space<vmem>>) dst(%dma_wait3A_900 : memref<8x128xf32, #tpu.memory_space<hbm>>)
        %dma_wait3A_904 = arith.constant 0 : i32
        %dma_wait3A_905 = arith.constant 0 : i32
        %dma_wait3A_906 = tpu.memref_slice %arg11[%dma_wait3A_904, %dma_wait3A_905] : memref<64x129xf32, #tpu.memory_space<vmem>> -> memref<8x128xf32, #tpu.memory_space<vmem>>
        %dma_wait3A_907 = arith.constant 0 : i32
        %dma_wait3A_908 = arith.constant 0 : i32
        %dma_wait3A_909 = tpu.memref_slice %arg5[%dma_wait3A_907, %dma_wait3A_908] : memref<102400x128xf32, #tpu.memory_space<hbm>> -> memref<8x128xf32, #tpu.memory_space<hbm>>
        %dma_wait3A_910 = arith.constant 0 : i32
        %dma_wait3A_911 = arith.constant 0 : i32
        %dma_wait3A_912 = tpu.memref_slice %arg5[%dma_wait3A_910, %dma_wait3A_911] : memref<102400x128xf32, #tpu.memory_space<hbm>> -> memref<8x128xf32, #tpu.memory_space<hbm>>
        %dma_wait3A_913 = arith.constant 0 : i32
        %dma_wait3A_914 = arith.constant 0 : i32
        %dma_wait3A_915 = tpu.memref_slice %arg11[%dma_wait3A_913, %dma_wait3A_914] : memref<64x129xf32, #tpu.memory_space<vmem>> -> memref<8x128xf32, #tpu.memory_space<vmem>>
        tpu.wait_dma2 semaphore(%arg16 : memref<!tpu.dma_semaphore, #tpu.memory_space<semaphore_mem>>) src(%dma_wait3A_915 : memref<8x128xf32, #tpu.memory_space<vmem>>) dst(%dma_wait3A_912 : memref<8x128xf32, #tpu.memory_space<hbm>>)
        %dma_wait3A_916 = arith.constant 0 : i32
        %dma_wait3A_917 = arith.constant 0 : i32
        %dma_wait3A_918 = tpu.memref_slice %arg11[%dma_wait3A_916, %dma_wait3A_917] : memref<64x129xf32, #tpu.memory_space<vmem>> -> memref<8x128xf32, #tpu.memory_space<vmem>>
        %dma_wait3A_919 = arith.constant 0 : i32
        %dma_wait3A_920 = arith.constant 0 : i32
        %dma_wait3A_921 = tpu.memref_slice %arg5[%dma_wait3A_919, %dma_wait3A_920] : memref<102400x128xf32, #tpu.memory_space<hbm>> -> memref<8x128xf32, #tpu.memory_space<hbm>>
        %dma_wait3A_922 = arith.constant 0 : i32
        %dma_wait3A_923 = arith.constant 0 : i32
        %dma_wait3A_924 = tpu.memref_slice %arg5[%dma_wait3A_922, %dma_wait3A_923] : memref<102400x128xf32, #tpu.memory_space<hbm>> -> memref<8x128xf32, #tpu.memory_space<hbm>>
        %dma_wait3A_925 = arith.constant 0 : i32
        %dma_wait3A_926 = arith.constant 0 : i32
        %dma_wait3A_927 = tpu.memref_slice %arg11[%dma_wait3A_925, %dma_wait3A_926] : memref<64x129xf32, #tpu.memory_space<vmem>> -> memref<8x128xf32, #tpu.memory_space<vmem>>
        tpu.wait_dma2 semaphore(%arg16 : memref<!tpu.dma_semaphore, #tpu.memory_space<semaphore_mem>>) src(%dma_wait3A_927 : memref<8x128xf32, #tpu.memory_space<vmem>>) dst(%dma_wait3A_924 : memref<8x128xf32, #tpu.memory_space<hbm>>)
        %dma_wait3A_928 = arith.constant 0 : i32
        %dma_wait3A_929 = arith.constant 0 : i32
        %dma_wait3A_930 = tpu.memref_slice %arg11[%dma_wait3A_928, %dma_wait3A_929] : memref<64x129xf32, #tpu.memory_space<vmem>> -> memref<8x128xf32, #tpu.memory_space<vmem>>
        %dma_wait3A_931 = arith.constant 0 : i32
        %dma_wait3A_932 = arith.constant 0 : i32
        %dma_wait3A_933 = tpu.memref_slice %arg5[%dma_wait3A_931, %dma_wait3A_932] : memref<102400x128xf32, #tpu.memory_space<hbm>> -> memref<8x128xf32, #tpu.memory_space<hbm>>
        %dma_wait3A_934 = arith.constant 0 : i32
        %dma_wait3A_935 = arith.constant 0 : i32
        %dma_wait3A_936 = tpu.memref_slice %arg5[%dma_wait3A_934, %dma_wait3A_935] : memref<102400x128xf32, #tpu.memory_space<hbm>> -> memref<8x128xf32, #tpu.memory_space<hbm>>
        %dma_wait3A_937 = arith.constant 0 : i32
        %dma_wait3A_938 = arith.constant 0 : i32
        %dma_wait3A_939 = tpu.memref_slice %arg11[%dma_wait3A_937, %dma_wait3A_938] : memref<64x129xf32, #tpu.memory_space<vmem>> -> memref<8x128xf32, #tpu.memory_space<vmem>>
        tpu.wait_dma2 semaphore(%arg16 : memref<!tpu.dma_semaphore, #tpu.memory_space<semaphore_mem>>) src(%dma_wait3A_939 : memref<8x128xf32, #tpu.memory_space<vmem>>) dst(%dma_wait3A_936 : memref<8x128xf32, #tpu.memory_space<hbm>>)
        %dma_wait3A_940 = arith.constant 0 : i32
        %dma_wait3A_941 = arith.constant 0 : i32
        %dma_wait3A_942 = tpu.memref_slice %arg11[%dma_wait3A_940, %dma_wait3A_941] : memref<64x129xf32, #tpu.memory_space<vmem>> -> memref<8x128xf32, #tpu.memory_space<vmem>>
        %dma_wait3A_943 = arith.constant 0 : i32
        %dma_wait3A_944 = arith.constant 0 : i32
        %dma_wait3A_945 = tpu.memref_slice %arg5[%dma_wait3A_943, %dma_wait3A_944] : memref<102400x128xf32, #tpu.memory_space<hbm>> -> memref<8x128xf32, #tpu.memory_space<hbm>>
        %dma_wait3A_946 = arith.constant 0 : i32
        %dma_wait3A_947 = arith.constant 0 : i32
        %dma_wait3A_948 = tpu.memref_slice %arg5[%dma_wait3A_946, %dma_wait3A_947] : memref<102400x128xf32, #tpu.memory_space<hbm>> -> memref<8x128xf32, #tpu.memory_space<hbm>>
        %dma_wait3A_949 = arith.constant 0 : i32
        %dma_wait3A_950 = arith.constant 0 : i32
        %dma_wait3A_951 = tpu.memref_slice %arg11[%dma_wait3A_949, %dma_wait3A_950] : memref<64x129xf32, #tpu.memory_space<vmem>> -> memref<8x128xf32, #tpu.memory_space<vmem>>
        tpu.wait_dma2 semaphore(%arg16 : memref<!tpu.dma_semaphore, #tpu.memory_space<semaphore_mem>>) src(%dma_wait3A_951 : memref<8x128xf32, #tpu.memory_space<vmem>>) dst(%dma_wait3A_948 : memref<8x128xf32, #tpu.memory_space<hbm>>)
        %dma_wait3A_952 = arith.constant 0 : i32
        %dma_wait3A_953 = arith.constant 0 : i32
        %dma_wait3A_954 = tpu.memref_slice %arg11[%dma_wait3A_952, %dma_wait3A_953] : memref<64x129xf32, #tpu.memory_space<vmem>> -> memref<8x128xf32, #tpu.memory_space<vmem>>
        %dma_wait3A_955 = arith.constant 0 : i32
        %dma_wait3A_956 = arith.constant 0 : i32
        %dma_wait3A_957 = tpu.memref_slice %arg5[%dma_wait3A_955, %dma_wait3A_956] : memref<102400x128xf32, #tpu.memory_space<hbm>> -> memref<8x128xf32, #tpu.memory_space<hbm>>
        %dma_wait3A_958 = arith.constant 0 : i32
        %dma_wait3A_959 = arith.constant 0 : i32
        %dma_wait3A_960 = tpu.memref_slice %arg5[%dma_wait3A_958, %dma_wait3A_959] : memref<102400x128xf32, #tpu.memory_space<hbm>> -> memref<8x128xf32, #tpu.memory_space<hbm>>
        %dma_wait3A_961 = arith.constant 0 : i32
        %dma_wait3A_962 = arith.constant 0 : i32
        %dma_wait3A_963 = tpu.memref_slice %arg11[%dma_wait3A_961, %dma_wait3A_962] : memref<64x129xf32, #tpu.memory_space<vmem>> -> memref<8x128xf32, #tpu.memory_space<vmem>>
        tpu.wait_dma2 semaphore(%arg16 : memref<!tpu.dma_semaphore, #tpu.memory_space<semaphore_mem>>) src(%dma_wait3A_963 : memref<8x128xf32, #tpu.memory_space<vmem>>) dst(%dma_wait3A_960 : memref<8x128xf32, #tpu.memory_space<hbm>>)
        %dma_wait3A_964 = arith.constant 0 : i32
        %dma_wait3A_965 = arith.constant 0 : i32
        %dma_wait3A_966 = tpu.memref_slice %arg11[%dma_wait3A_964, %dma_wait3A_965] : memref<64x129xf32, #tpu.memory_space<vmem>> -> memref<8x128xf32, #tpu.memory_space<vmem>>
        %dma_wait3A_967 = arith.constant 0 : i32
        %dma_wait3A_968 = arith.constant 0 : i32
        %dma_wait3A_969 = tpu.memref_slice %arg5[%dma_wait3A_967, %dma_wait3A_968] : memref<102400x128xf32, #tpu.memory_space<hbm>> -> memref<8x128xf32, #tpu.memory_space<hbm>>
        %dma_wait3A_970 = arith.constant 0 : i32
        %dma_wait3A_971 = arith.constant 0 : i32
        %dma_wait3A_972 = tpu.memref_slice %arg5[%dma_wait3A_970, %dma_wait3A_971] : memref<102400x128xf32, #tpu.memory_space<hbm>> -> memref<8x128xf32, #tpu.memory_space<hbm>>
        %dma_wait3A_973 = arith.constant 0 : i32
        %dma_wait3A_974 = arith.constant 0 : i32
        %dma_wait3A_975 = tpu.memref_slice %arg11[%dma_wait3A_973, %dma_wait3A_974] : memref<64x129xf32, #tpu.memory_space<vmem>> -> memref<8x128xf32, #tpu.memory_space<vmem>>
        tpu.wait_dma2 semaphore(%arg16 : memref<!tpu.dma_semaphore, #tpu.memory_space<semaphore_mem>>) src(%dma_wait3A_975 : memref<8x128xf32, #tpu.memory_space<vmem>>) dst(%dma_wait3A_972 : memref<8x128xf32, #tpu.memory_space<hbm>>)
        %dma_wait3A_976 = arith.constant 0 : i32
        %dma_wait3A_977 = arith.constant 0 : i32
        %dma_wait3A_978 = tpu.memref_slice %arg11[%dma_wait3A_976, %dma_wait3A_977] : memref<64x129xf32, #tpu.memory_space<vmem>> -> memref<8x128xf32, #tpu.memory_space<vmem>>
        %dma_wait3A_979 = arith.constant 0 : i32
        %dma_wait3A_980 = arith.constant 0 : i32
        %dma_wait3A_981 = tpu.memref_slice %arg5[%dma_wait3A_979, %dma_wait3A_980] : memref<102400x128xf32, #tpu.memory_space<hbm>> -> memref<8x128xf32, #tpu.memory_space<hbm>>
        %dma_wait3A_982 = arith.constant 0 : i32
        %dma_wait3A_983 = arith.constant 0 : i32
        %dma_wait3A_984 = tpu.memref_slice %arg5[%dma_wait3A_982, %dma_wait3A_983] : memref<102400x128xf32, #tpu.memory_space<hbm>> -> memref<8x128xf32, #tpu.memory_space<hbm>>
        %dma_wait3A_985 = arith.constant 0 : i32
        %dma_wait3A_986 = arith.constant 0 : i32
        %dma_wait3A_987 = tpu.memref_slice %arg11[%dma_wait3A_985, %dma_wait3A_986] : memref<64x129xf32, #tpu.memory_space<vmem>> -> memref<8x128xf32, #tpu.memory_space<vmem>>
        tpu.wait_dma2 semaphore(%arg16 : memref<!tpu.dma_semaphore, #tpu.memory_space<semaphore_mem>>) src(%dma_wait3A_987 : memref<8x128xf32, #tpu.memory_space<vmem>>) dst(%dma_wait3A_984 : memref<8x128xf32, #tpu.memory_space<hbm>>)
      } else {
      }
      %jit3A_707 = arith.constant 8 : i32
      %div3A_708 = arith.divsi %add3A_636, %jit3A_707 : i32
      %sign3A_709 = arith.constant 0 : i32
      %sign3A_710 = arith.cmpi sgt, %add3A_636, %sign3A_709 : i32
      %sign3A_711 = arith.extui %sign3A_710 : i1 to i32
      %sign3A_712 = arith.constant 0 : i32
      %sign3A_713 = arith.cmpi slt, %add3A_636, %sign3A_712 : i32
      %sign3A_714 = arith.extui %sign3A_713 : i1 to i32
      %sign3A_715 = arith.subi %sign3A_711, %sign3A_714 : i32
      %sign3A_716 = arith.constant 0 : i32
      %sign3A_717 = arith.cmpi sgt, %jit3A_707, %sign3A_716 : i32
      %sign3A_718 = arith.extui %sign3A_717 : i1 to i32
      %sign3A_719 = arith.constant 0 : i32
      %sign3A_720 = arith.cmpi slt, %jit3A_707, %sign3A_719 : i32
      %sign3A_721 = arith.extui %sign3A_720 : i1 to i32
      %sign3A_722 = arith.subi %sign3A_718, %sign3A_721 : i32
      %ne3A_723 = arith.cmpi ne, %sign3A_715, %sign3A_722 : i32
      %rem3A_724 = arith.remsi %add3A_636, %jit3A_707 : i32
      %ne3A_725 = arith.constant 0 : i32
      %ne3A_726 = arith.cmpi ne, %rem3A_724, %ne3A_725 : i32
      %and3A_727 = arith.andi %ne3A_723, %ne3A_726 : i1
      %sub3A_728 = arith.constant 1 : i32
      %sub3A_729 = arith.subi %div3A_708, %sub3A_728 : i32
      %select_n3A_730 = arith.select %and3A_727, %sub3A_729, %div3A_708 : i32
      %get3A_731 = arith.index_cast %select_n3A_730 : i32 to index
      %get3A_732 = arith.constant 0 : index
      %get3A_733 = tpu.vector_load %arg6[%get3A_731, %get3A_732] {strides = array<i32>} : memref<200x64xf32, #tpu.memory_space<vmem>>, vector<16xf32>,
      %get3A_734 = arith.index_cast %select_n3A_730 : i32 to index
      %get3A_735 = arith.constant 16 : index
      %get3A_736 = tpu.vector_load %arg6[%get3A_734, %get3A_735] {strides = array<i32>} : memref<200x64xf32, #tpu.memory_space<vmem>>, vector<16xf32>,
      %get3A_737 = arith.index_cast %select_n3A_730 : i32 to index
      %get3A_738 = arith.constant 32 : index
      %get3A_739 = tpu.vector_load %arg6[%get3A_737, %get3A_738] {strides = array<i32>} : memref<200x64xf32, #tpu.memory_space<vmem>>, vector<16xf32>,
      %get3A_740 = arith.index_cast %select_n3A_730 : i32 to index
      %get3A_741 = arith.constant 48 : index
      %get3A_742 = tpu.vector_load %arg6[%get3A_740, %get3A_741] {strides = array<i32>} : memref<200x64xf32, #tpu.memory_space<vmem>>, vector<16xf32>,
      %add3A_743 = arith.constant 0 : i32
      %add3A_744 = vector.broadcast %add3A_743 : i32 to vector<16xi32>
      %add3A_745 = arith.addi %iota3A, %add3A_744 : vector<16xi32>
      %add3A_746 = arith.constant 16 : i32
      %add3A_747 = vector.broadcast %add3A_746 : i32 to vector<16xi32>
      %add3A_748 = arith.addi %iota3A, %add3A_747 : vector<16xi32>
      %add3A_749 = arith.constant 32 : i32
      %add3A_750 = vector.broadcast %add3A_749 : i32 to vector<16xi32>
      %add3A_751 = arith.addi %iota3A, %add3A_750 : vector<16xi32>
      %add3A_752 = arith.constant 48 : i32
      %add3A_753 = vector.broadcast %add3A_752 : i32 to vector<16xi32>
      %add3A_754 = arith.addi %iota3A, %add3A_753 : vector<16xi32>
      %parallel_loop3A_755 = arith.constant 0 : i32
      %parallel_loop3A_756 = arith.constant 128 : i32
      %parallel_loop3A_757 = arith.constant 1 : i32
      scf.for %parallel_loop3A_892 = %parallel_loop3A_755 to %parallel_loop3A_756 step %parallel_loop3A_757  : i32 {
        %parallel_loop3A_893 = vector.broadcast %parallel_loop3A_892 : i32 to vector<16xi32>
        %parallel_loop3A_894 = arith.index_cast %parallel_loop3A_892 : i32 to index
        %parallel_loop3A_895 = arith.constant 0 : index
        %parallel_loop3A_896 = tpu.vector_load %arg9[%parallel_loop3A_894, %parallel_loop3A_895] {strides = array<i32>} : memref<128x64xf32, #tpu.memory_space<vmem>>, vector<16xf32>,
        %parallel_loop3A_897 = arith.addf %parallel_loop3A_896, %get3A_733 : vector<16xf32>
        tpu.vector_store_idx %arg11[%add3A_745, %parallel_loop3A_893], %parallel_loop3A_897 : memref<64x129xf32, #tpu.memory_space<vmem>>[vector<16xi32>, vector<16xi32>], vector<16xf32>,
        %parallel_loop3A_898 = arith.index_cast %parallel_loop3A_892 : i32 to index
        %parallel_loop3A_899 = arith.constant 16 : index
        %parallel_loop3A_900 = tpu.vector_load %arg9[%parallel_loop3A_898, %parallel_loop3A_899] {strides = array<i32>} : memref<128x64xf32, #tpu.memory_space<vmem>>, vector<16xf32>,
        %parallel_loop3A_901 = arith.addf %parallel_loop3A_900, %get3A_736 : vector<16xf32>
        tpu.vector_store_idx %arg11[%add3A_748, %parallel_loop3A_893], %parallel_loop3A_901 : memref<64x129xf32, #tpu.memory_space<vmem>>[vector<16xi32>, vector<16xi32>], vector<16xf32>,
        %parallel_loop3A_902 = arith.index_cast %parallel_loop3A_892 : i32 to index
        %parallel_loop3A_903 = arith.constant 32 : index
        %parallel_loop3A_904 = tpu.vector_load %arg9[%parallel_loop3A_902, %parallel_loop3A_903] {strides = array<i32>} : memref<128x64xf32, #tpu.memory_space<vmem>>, vector<16xf32>,
        %parallel_loop3A_905 = arith.addf %parallel_loop3A_904, %get3A_739 : vector<16xf32>
        tpu.vector_store_idx %arg11[%add3A_751, %parallel_loop3A_893], %parallel_loop3A_905 : memref<64x129xf32, #tpu.memory_space<vmem>>[vector<16xi32>, vector<16xi32>], vector<16xf32>,
        %parallel_loop3A_906 = arith.index_cast %parallel_loop3A_892 : i32 to index
        %parallel_loop3A_907 = arith.constant 48 : index
        %parallel_loop3A_908 = tpu.vector_load %arg9[%parallel_loop3A_906, %parallel_loop3A_907] {strides = array<i32>} : memref<128x64xf32, #tpu.memory_space<vmem>>, vector<16xf32>,
        %parallel_loop3A_909 = arith.addf %parallel_loop3A_908, %get3A_742 : vector<16xf32>
        tpu.vector_store_idx %arg11[%add3A_754, %parallel_loop3A_893], %parallel_loop3A_909 : memref<64x129xf32, #tpu.memory_space<vmem>>[vector<16xi32>, vector<16xi32>], vector<16xf32>,
      } {sc.loop_unroll_factor = 2 : i64, sc.parallel_access}
      %jit3A_758 = arith.constant 8 : i32
      %div3A_759 = arith.divsi %add3A_636, %jit3A_758 : i32
      %sign3A_760 = arith.constant 0 : i32
      %sign3A_761 = arith.cmpi sgt, %add3A_636, %sign3A_760 : i32
      %sign3A_762 = arith.extui %sign3A_761 : i1 to i32
      %sign3A_763 = arith.constant 0 : i32
      %sign3A_764 = arith.cmpi slt, %add3A_636, %sign3A_763 : i32
      %sign3A_765 = arith.extui %sign3A_764 : i1 to i32
      %sign3A_766 = arith.subi %sign3A_762, %sign3A_765 : i32
      %sign3A_767 = arith.constant 0 : i32
      %sign3A_768 = arith.cmpi sgt, %jit3A_758, %sign3A_767 : i32
      %sign3A_769 = arith.extui %sign3A_768 : i1 to i32
      %sign3A_770 = arith.constant 0 : i32
      %sign3A_771 = arith.cmpi slt, %jit3A_758, %sign3A_770 : i32
      %sign3A_772 = arith.extui %sign3A_771 : i1 to i32
      %sign3A_773 = arith.subi %sign3A_769, %sign3A_772 : i32
      %ne3A_774 = arith.cmpi ne, %sign3A_766, %sign3A_773 : i32
      %rem3A_775 = arith.remsi %add3A_636, %jit3A_758 : i32
      %ne3A_776 = arith.constant 0 : i32
      %ne3A_777 = arith.cmpi ne, %rem3A_775, %ne3A_776 : i32
      %and3A_778 = arith.andi %ne3A_774, %ne3A_777 : i1
      %sub3A_779 = arith.constant 1 : i32
      %sub3A_780 = arith.subi %div3A_759, %sub3A_779 : i32
      %select_n3A_781 = arith.select %and3A_778, %sub3A_780, %div3A_759 : i32
      %rem3A_782 = arith.constant 8 : i32
      %rem3A_783 = arith.remsi %add3A_636, %rem3A_782 : i32
      %mul3A_784 = arith.constant 512 : i32
      %mul3A_785 = arith.muli %select_n3A_781, %mul3A_784 : i32
      %mul3A_786 = arith.constant 8 : i32
      %mul3A_787 = arith.muli %rem3A_783, %mul3A_786 : i32
      %add3A_788 = arith.addi %mul3A_785, %mul3A_787 : i32
      %add3A_789 = arith.constant 0 : i32
      %add3A_790 = arith.addi %add3A_788, %add3A_789 : i32
      %dma_start3A_791 = arith.constant 0 : i32
      %dma_start3A_792 = arith.constant 0 : i32
      %dma_start3A_793 = tpu.memref_slice %arg11[%dma_start3A_791, %dma_start3A_792] : memref<64x129xf32, #tpu.memory_space<vmem>> -> memref<8x128xf32, #tpu.memory_space<vmem>>
      %dma_start3A_794 = arith.constant 0 : i32
      %dma_start3A_795 = tpu.memref_slice %arg5[%add3A_790, %dma_start3A_794] : memref<102400x128xf32, #tpu.memory_space<hbm>> -> memref<8x128xf32, #tpu.memory_space<hbm>>
      %dma_start3A_796 = arith.constant 0 : i32
      %dma_start3A_797 = tpu.memref_slice %arg5[%add3A_790, %dma_start3A_796] : memref<102400x128xf32, #tpu.memory_space<hbm>> -> memref<8x128xf32, #tpu.memory_space<hbm>>
      %dma_start3A_798 = arith.constant 0 : i32
      %dma_start3A_799 = arith.constant 0 : i32
      %dma_start3A_800 = tpu.memref_slice %arg11[%dma_start3A_798, %dma_start3A_799] : memref<64x129xf32, #tpu.memory_space<vmem>> -> memref<8x128xf32, #tpu.memory_space<vmem>>
      tpu.enqueue_dma source(%dma_start3A_800 : memref<8x128xf32, #tpu.memory_space<vmem>>) target(%dma_start3A_797 : memref<8x128xf32, #tpu.memory_space<hbm>>) target_semaphore(%arg16 : memref<!tpu.dma_semaphore, #tpu.memory_space<semaphore_mem>>)
      %add3A_801 = arith.constant 64 : i32
      %add3A_802 = arith.addi %add3A_788, %add3A_801 : i32
      %dma_start3A_803 = arith.constant 8 : i32
      %dma_start3A_804 = arith.constant 0 : i32
      %dma_start3A_805 = tpu.memref_slice %arg11[%dma_start3A_803, %dma_start3A_804] : memref<64x129xf32, #tpu.memory_space<vmem>> -> memref<8x128xf32, #tpu.memory_space<vmem>>
      %dma_start3A_806 = arith.constant 0 : i32
      %dma_start3A_807 = tpu.memref_slice %arg5[%add3A_802, %dma_start3A_806] : memref<102400x128xf32, #tpu.memory_space<hbm>> -> memref<8x128xf32, #tpu.memory_space<hbm>>
      %dma_start3A_808 = arith.constant 0 : i32
      %dma_start3A_809 = tpu.memref_slice %arg5[%add3A_802, %dma_start3A_808] : memref<102400x128xf32, #tpu.memory_space<hbm>> -> memref<8x128xf32, #tpu.memory_space<hbm>>
      %dma_start3A_810 = arith.constant 8 : i32
      %dma_start3A_811 = arith.constant 0 : i32
      %dma_start3A_812 = tpu.memref_slice %arg11[%dma_start3A_810, %dma_start3A_811] : memref<64x129xf32, #tpu.memory_space<vmem>> -> memref<8x128xf32, #tpu.memory_space<vmem>>
      tpu.enqueue_dma source(%dma_start3A_812 : memref<8x128xf32, #tpu.memory_space<vmem>>) target(%dma_start3A_809 : memref<8x128xf32, #tpu.memory_space<hbm>>) target_semaphore(%arg16 : memref<!tpu.dma_semaphore, #tpu.memory_space<semaphore_mem>>)
      %add3A_813 = arith.constant 128 : i32
      %add3A_814 = arith.addi %add3A_788, %add3A_813 : i32
      %dma_start3A_815 = arith.constant 16 : i32
      %dma_start3A_816 = arith.constant 0 : i32
      %dma_start3A_817 = tpu.memref_slice %arg11[%dma_start3A_815, %dma_start3A_816] : memref<64x129xf32, #tpu.memory_space<vmem>> -> memref<8x128xf32, #tpu.memory_space<vmem>>
      %dma_start3A_818 = arith.constant 0 : i32
      %dma_start3A_819 = tpu.memref_slice %arg5[%add3A_814, %dma_start3A_818] : memref<102400x128xf32, #tpu.memory_space<hbm>> -> memref<8x128xf32, #tpu.memory_space<hbm>>
      %dma_start3A_820 = arith.constant 0 : i32
      %dma_start3A_821 = tpu.memref_slice %arg5[%add3A_814, %dma_start3A_820] : memref<102400x128xf32, #tpu.memory_space<hbm>> -> memref<8x128xf32, #tpu.memory_space<hbm>>
      %dma_start3A_822 = arith.constant 16 : i32
      %dma_start3A_823 = arith.constant 0 : i32
      %dma_start3A_824 = tpu.memref_slice %arg11[%dma_start3A_822, %dma_start3A_823] : memref<64x129xf32, #tpu.memory_space<vmem>> -> memref<8x128xf32, #tpu.memory_space<vmem>>
      tpu.enqueue_dma source(%dma_start3A_824 : memref<8x128xf32, #tpu.memory_space<vmem>>) target(%dma_start3A_821 : memref<8x128xf32, #tpu.memory_space<hbm>>) target_semaphore(%arg16 : memref<!tpu.dma_semaphore, #tpu.memory_space<semaphore_mem>>)
      %add3A_825 = arith.constant 192 : i32
      %add3A_826 = arith.addi %add3A_788, %add3A_825 : i32
      %dma_start3A_827 = arith.constant 24 : i32
      %dma_start3A_828 = arith.constant 0 : i32
      %dma_start3A_829 = tpu.memref_slice %arg11[%dma_start3A_827, %dma_start3A_828] : memref<64x129xf32, #tpu.memory_space<vmem>> -> memref<8x128xf32, #tpu.memory_space<vmem>>
      %dma_start3A_830 = arith.constant 0 : i32
      %dma_start3A_831 = tpu.memref_slice %arg5[%add3A_826, %dma_start3A_830] : memref<102400x128xf32, #tpu.memory_space<hbm>> -> memref<8x128xf32, #tpu.memory_space<hbm>>
      %dma_start3A_832 = arith.constant 0 : i32
      %dma_start3A_833 = tpu.memref_slice %arg5[%add3A_826, %dma_start3A_832] : memref<102400x128xf32, #tpu.memory_space<hbm>> -> memref<8x128xf32, #tpu.memory_space<hbm>>
      %dma_start3A_834 = arith.constant 24 : i32
      %dma_start3A_835 = arith.constant 0 : i32
      %dma_start3A_836 = tpu.memref_slice %arg11[%dma_start3A_834, %dma_start3A_835] : memref<64x129xf32, #tpu.memory_space<vmem>> -> memref<8x128xf32, #tpu.memory_space<vmem>>
      tpu.enqueue_dma source(%dma_start3A_836 : memref<8x128xf32, #tpu.memory_space<vmem>>) target(%dma_start3A_833 : memref<8x128xf32, #tpu.memory_space<hbm>>) target_semaphore(%arg16 : memref<!tpu.dma_semaphore, #tpu.memory_space<semaphore_mem>>)
      %add3A_837 = arith.constant 256 : i32
      %add3A_838 = arith.addi %add3A_788, %add3A_837 : i32
      %dma_start3A_839 = arith.constant 32 : i32
      %dma_start3A_840 = arith.constant 0 : i32
      %dma_start3A_841 = tpu.memref_slice %arg11[%dma_start3A_839, %dma_start3A_840] : memref<64x129xf32, #tpu.memory_space<vmem>> -> memref<8x128xf32, #tpu.memory_space<vmem>>
      %dma_start3A_842 = arith.constant 0 : i32
      %dma_start3A_843 = tpu.memref_slice %arg5[%add3A_838, %dma_start3A_842] : memref<102400x128xf32, #tpu.memory_space<hbm>> -> memref<8x128xf32, #tpu.memory_space<hbm>>
      %dma_start3A_844 = arith.constant 0 : i32
      %dma_start3A_845 = tpu.memref_slice %arg5[%add3A_838, %dma_start3A_844] : memref<102400x128xf32, #tpu.memory_space<hbm>> -> memref<8x128xf32, #tpu.memory_space<hbm>>
      %dma_start3A_846 = arith.constant 32 : i32
      %dma_start3A_847 = arith.constant 0 : i32
      %dma_start3A_848 = tpu.memref_slice %arg11[%dma_start3A_846, %dma_start3A_847] : memref<64x129xf32, #tpu.memory_space<vmem>> -> memref<8x128xf32, #tpu.memory_space<vmem>>
      tpu.enqueue_dma source(%dma_start3A_848 : memref<8x128xf32, #tpu.memory_space<vmem>>) target(%dma_start3A_845 : memref<8x128xf32, #tpu.memory_space<hbm>>) target_semaphore(%arg16 : memref<!tpu.dma_semaphore, #tpu.memory_space<semaphore_mem>>)
      %add3A_849 = arith.constant 320 : i32
      %add3A_850 = arith.addi %add3A_788, %add3A_849 : i32
      %dma_start3A_851 = arith.constant 40 : i32
      %dma_start3A_852 = arith.constant 0 : i32
      %dma_start3A_853 = tpu.memref_slice %arg11[%dma_start3A_851, %dma_start3A_852] : memref<64x129xf32, #tpu.memory_space<vmem>> -> memref<8x128xf32, #tpu.memory_space<vmem>>
      %dma_start3A_854 = arith.constant 0 : i32
      %dma_start3A_855 = tpu.memref_slice %arg5[%add3A_850, %dma_start3A_854] : memref<102400x128xf32, #tpu.memory_space<hbm>> -> memref<8x128xf32, #tpu.memory_space<hbm>>
      %dma_start3A_856 = arith.constant 0 : i32
      %dma_start3A_857 = tpu.memref_slice %arg5[%add3A_850, %dma_start3A_856] : memref<102400x128xf32, #tpu.memory_space<hbm>> -> memref<8x128xf32, #tpu.memory_space<hbm>>
      %dma_start3A_858 = arith.constant 40 : i32
      %dma_start3A_859 = arith.constant 0 : i32
      %dma_start3A_860 = tpu.memref_slice %arg11[%dma_start3A_858, %dma_start3A_859] : memref<64x129xf32, #tpu.memory_space<vmem>> -> memref<8x128xf32, #tpu.memory_space<vmem>>
      tpu.enqueue_dma source(%dma_start3A_860 : memref<8x128xf32, #tpu.memory_space<vmem>>) target(%dma_start3A_857 : memref<8x128xf32, #tpu.memory_space<hbm>>) target_semaphore(%arg16 : memref<!tpu.dma_semaphore, #tpu.memory_space<semaphore_mem>>)
      %add3A_861 = arith.constant 384 : i32
      %add3A_862 = arith.addi %add3A_788, %add3A_861 : i32
      %dma_start3A_863 = arith.constant 48 : i32
      %dma_start3A_864 = arith.constant 0 : i32
      %dma_start3A_865 = tpu.memref_slice %arg11[%dma_start3A_863, %dma_start3A_864] : memref<64x129xf32, #tpu.memory_space<vmem>> -> memref<8x128xf32, #tpu.memory_space<vmem>>
      %dma_start3A_866 = arith.constant 0 : i32
      %dma_start3A_867 = tpu.memref_slice %arg5[%add3A_862, %dma_start3A_866] : memref<102400x128xf32, #tpu.memory_space<hbm>> -> memref<8x128xf32, #tpu.memory_space<hbm>>
      %dma_start3A_868 = arith.constant 0 : i32
      %dma_start3A_869 = tpu.memref_slice %arg5[%add3A_862, %dma_start3A_868] : memref<102400x128xf32, #tpu.memory_space<hbm>> -> memref<8x128xf32, #tpu.memory_space<hbm>>
      %dma_start3A_870 = arith.constant 48 : i32
      %dma_start3A_871 = arith.constant 0 : i32
      %dma_start3A_872 = tpu.memref_slice %arg11[%dma_start3A_870, %dma_start3A_871] : memref<64x129xf32, #tpu.memory_space<vmem>> -> memref<8x128xf32, #tpu.memory_space<vmem>>
      tpu.enqueue_dma source(%dma_start3A_872 : memref<8x128xf32, #tpu.memory_space<vmem>>) target(%dma_start3A_869 : memref<8x128xf32, #tpu.memory_space<hbm>>) target_semaphore(%arg16 : memref<!tpu.dma_semaphore, #tpu.memory_space<semaphore_mem>>)
      %add3A_873 = arith.constant 448 : i32
      %add3A_874 = arith.addi %add3A_788, %add3A_873 : i32
      %dma_start3A_875 = arith.constant 56 : i32
      %dma_start3A_876 = arith.constant 0 : i32
      %dma_start3A_877 = tpu.memref_slice %arg11[%dma_start3A_875, %dma_start3A_876] : memref<64x129xf32, #tpu.memory_space<vmem>> -> memref<8x128xf32, #tpu.memory_space<vmem>>
      %dma_start3A_878 = arith.constant 0 : i32
      %dma_start3A_879 = tpu.memref_slice %arg5[%add3A_874, %dma_start3A_878] : memref<102400x128xf32, #tpu.memory_space<hbm>> -> memref<8x128xf32, #tpu.memory_space<hbm>>
      %dma_start3A_880 = arith.constant 0 : i32
      %dma_start3A_881 = tpu.memref_slice %arg5[%add3A_874, %dma_start3A_880] : memref<102400x128xf32, #tpu.memory_space<hbm>> -> memref<8x128xf32, #tpu.memory_space<hbm>>
      %dma_start3A_882 = arith.constant 56 : i32
      %dma_start3A_883 = arith.constant 0 : i32
      %dma_start3A_884 = tpu.memref_slice %arg11[%dma_start3A_882, %dma_start3A_883] : memref<64x129xf32, #tpu.memory_space<vmem>> -> memref<8x128xf32, #tpu.memory_space<vmem>>
      tpu.enqueue_dma source(%dma_start3A_884 : memref<8x128xf32, #tpu.memory_space<vmem>>) target(%dma_start3A_881 : memref<8x128xf32, #tpu.memory_space<hbm>>) target_semaphore(%arg16 : memref<!tpu.dma_semaphore, #tpu.memory_space<semaphore_mem>>)
      %add3A_885 = arith.constant 2 : i32
      %add3A_886 = arith.addi %add3A_635, %add3A_885 : i32
      %lt3A_887 = arith.constant 50 : i32
      %lt3A_888 = arith.cmpi slt, %add3A_886, %lt3A_887 : i32
      %convert_element_type3A_889 = arith.extui %lt3A_888 : i1 to i32
      %cond3A_890 = arith.constant 0 : i32
      %cond3A_891 = arith.cmpi ne, %convert_element_type3A_889, %cond3A_890 : i32
      scf.if %cond3A_891 {
        %add3A_892 = arith.constant 2 : i32
        %add3A_893 = arith.addi %add3A_636, %add3A_892 : i32
        %jit3A_894 = arith.constant 8 : i32
        %div3A_895 = arith.divsi %add3A_893, %jit3A_894 : i32
        %sign3A_896 = arith.constant 0 : i32
        %sign3A_897 = arith.cmpi sgt, %add3A_893, %sign3A_896 : i32
        %sign3A_898 = arith.extui %sign3A_897 : i1 to i32
        %sign3A_899 = arith.constant 0 : i32
        %sign3A_900 = arith.cmpi slt, %add3A_893, %sign3A_899 : i32
        %sign3A_901 = arith.extui %sign3A_900 : i1 to i32
        %sign3A_902 = arith.subi %sign3A_898, %sign3A_901 : i32
        %sign3A_903 = arith.constant 0 : i32
        %sign3A_904 = arith.cmpi sgt, %jit3A_894, %sign3A_903 : i32
        %sign3A_905 = arith.extui %sign3A_904 : i1 to i32
        %sign3A_906 = arith.constant 0 : i32
        %sign3A_907 = arith.cmpi slt, %jit3A_894, %sign3A_906 : i32
        %sign3A_908 = arith.extui %sign3A_907 : i1 to i32
        %sign3A_909 = arith.subi %sign3A_905, %sign3A_908 : i32
        %ne3A_910 = arith.cmpi ne, %sign3A_902, %sign3A_909 : i32
        %rem3A_911 = arith.remsi %add3A_893, %jit3A_894 : i32
        %ne3A_912 = arith.constant 0 : i32
        %ne3A_913 = arith.cmpi ne, %rem3A_911, %ne3A_912 : i32
        %and3A_914 = arith.andi %ne3A_910, %ne3A_913 : i1
        %sub3A_915 = arith.constant 1 : i32
        %sub3A_916 = arith.subi %div3A_895, %sub3A_915 : i32
        %select_n3A_917 = arith.select %and3A_914, %sub3A_916, %div3A_895 : i32
        %rem3A_918 = arith.constant 8 : i32
        %rem3A_919 = arith.remsi %add3A_893, %rem3A_918 : i32
        %jit3A_920 = arith.constant 8 : i32
        %div3A_921 = arith.divsi %select_n3A_917, %jit3A_920 : i32
        %sign3A_922 = arith.constant 0 : i32
        %sign3A_923 = arith.cmpi sgt, %select_n3A_917, %sign3A_922 : i32
        %sign3A_924 = arith.extui %sign3A_923 : i1 to i32
        %sign3A_925 = arith.constant 0 : i32
        %sign3A_926 = arith.cmpi slt, %select_n3A_917, %sign3A_925 : i32
        %sign3A_927 = arith.extui %sign3A_926 : i1 to i32
        %sign3A_928 = arith.subi %sign3A_924, %sign3A_927 : i32
        %sign3A_929 = arith.constant 0 : i32
        %sign3A_930 = arith.cmpi sgt, %jit3A_920, %sign3A_929 : i32
        %sign3A_931 = arith.extui %sign3A_930 : i1 to i32
        %sign3A_932 = arith.constant 0 : i32
        %sign3A_933 = arith.cmpi slt, %jit3A_920, %sign3A_932 : i32
        %sign3A_934 = arith.extui %sign3A_933 : i1 to i32
        %sign3A_935 = arith.subi %sign3A_931, %sign3A_934 : i32
        %ne3A_936 = arith.cmpi ne, %sign3A_928, %sign3A_935 : i32
        %rem3A_937 = arith.remsi %select_n3A_917, %jit3A_920 : i32
        %ne3A_938 = arith.constant 0 : i32
        %ne3A_939 = arith.cmpi ne, %rem3A_937, %ne3A_938 : i32
        %and3A_940 = arith.andi %ne3A_936, %ne3A_939 : i1
        %sub3A_941 = arith.constant 1 : i32
        %sub3A_942 = arith.subi %div3A_921, %sub3A_941 : i32
        %select_n3A_943 = arith.select %and3A_940, %sub3A_942, %div3A_921 : i32
        %mul3A_944 = arith.constant 64 : i32
        %mul3A_945 = arith.muli %select_n3A_943, %mul3A_944 : i32
        %mul3A_946 = arith.constant 8 : i32
        %mul3A_947 = arith.muli %rem3A_919, %mul3A_946 : i32
        %add3A_948 = arith.addi %mul3A_945, %mul3A_947 : i32
        %rem3A_949 = arith.constant 8 : i32
        %rem3A_950 = arith.remsi %select_n3A_917, %rem3A_949 : i32
        %add3A_951 = arith.addi %add3A_948, %rem3A_950 : i32
        %sub3A_952 = arith.subi %add3A_951, %mul3A_20 : i32
        %dma_start3A_953 = arith.constant 0 : i32
        %dma_start3A_954 = tpu.memref_slice %arg7[%sub3A_952, %dma_start3A_953] : memref<128x128xi32, #tpu.memory_space<vmem>> -> memref<1x128xi32, #tpu.memory_space<vmem>>
        %dma_start3A_955 = tpu.memref_squeeze %dma_start3A_954 : memref<1x128xi32, #tpu.memory_space<vmem>> -> memref<128xi32, #tpu.memory_space<vmem>>
        %dma_start3A_956 = arith.constant 0 : i32
        %dma_start3A_957 = arith.constant 0 : i32
        %dma_start3A_958 = tpu.memref_slice %arg3[%dma_start3A_956, %dma_start3A_957] : memref<100000x64xf32, #tpu.memory_space<hbm>> -> memref<100000x64xf32, #tpu.memory_space<hbm>>
        tpu.enqueue_indirect_dma source(%dma_start3A_958 : memref<100000x64xf32, #tpu.memory_space<hbm>>) target(%arg9 : memref<128x64xf32, #tpu.memory_space<vmem>>) offsets(%dma_start3A_955 : memref<128xi32, #tpu.memory_space<vmem>>) semaphore(%arg14 : memref<!tpu.dma_semaphore, #tpu.memory_space<semaphore_mem>>)
      } else {
      }
    }
    %scan3A_182 = arith.constant 25 : i32
    %dma_wait3A_183 = arith.constant 0 : i32
    %dma_wait3A_184 = arith.constant 0 : i32
    %dma_wait3A_185 = tpu.memref_slice %arg10[%dma_wait3A_183, %dma_wait3A_184] : memref<64x129xf32, #tpu.memory_space<vmem>> -> memref<8x128xf32, #tpu.memory_space<vmem>>
    %dma_wait3A_186 = arith.constant 0 : i32
    %dma_wait3A_187 = arith.constant 0 : i32
    %dma_wait3A_188 = tpu.memref_slice %arg5[%dma_wait3A_186, %dma_wait3A_187] : memref<102400x128xf32, #tpu.memory_space<hbm>> -> memref<8x128xf32, #tpu.memory_space<hbm>>
    %dma_wait3A_189 = arith.constant 0 : i32
    %dma_wait3A_190 = arith.constant 0 : i32
    %dma_wait3A_191 = tpu.memref_slice %arg5[%dma_wait3A_189, %dma_wait3A_190] : memref<102400x128xf32, #tpu.memory_space<hbm>> -> memref<8x128xf32, #tpu.memory_space<hbm>>
    %dma_wait3A_192 = arith.constant 0 : i32
    %dma_wait3A_193 = arith.constant 0 : i32
    %dma_wait3A_194 = tpu.memref_slice %arg10[%dma_wait3A_192, %dma_wait3A_193] : memref<64x129xf32, #tpu.memory_space<vmem>> -> memref<8x128xf32, #tpu.memory_space<vmem>>
    tpu.wait_dma2 semaphore(%arg15 : memref<!tpu.dma_semaphore, #tpu.memory_space<semaphore_mem>>) src(%dma_wait3A_194 : memref<8x128xf32, #tpu.memory_space<vmem>>) dst(%dma_wait3A_191 : memref<8x128xf32, #tpu.memory_space<hbm>>)
    %dma_wait3A_195 = arith.constant 0 : i32
    %dma_wait3A_196 = arith.constant 0 : i32
    %dma_wait3A_197 = tpu.memref_slice %arg10[%dma_wait3A_195, %dma_wait3A_196] : memref<64x129xf32, #tpu.memory_space<vmem>> -> memref<8x128xf32, #tpu.memory_space<vmem>>
    %dma_wait3A_198 = arith.constant 0 : i32
    %dma_wait3A_199 = arith.constant 0 : i32
    %dma_wait3A_200 = tpu.memref_slice %arg5[%dma_wait3A_198, %dma_wait3A_199] : memref<102400x128xf32, #tpu.memory_space<hbm>> -> memref<8x128xf32, #tpu.memory_space<hbm>>
    %dma_wait3A_201 = arith.constant 0 : i32
    %dma_wait3A_202 = arith.constant 0 : i32
    %dma_wait3A_203 = tpu.memref_slice %arg5[%dma_wait3A_201, %dma_wait3A_202] : memref<102400x128xf32, #tpu.memory_space<hbm>> -> memref<8x128xf32, #tpu.memory_space<hbm>>
    %dma_wait3A_204 = arith.constant 0 : i32
    %dma_wait3A_205 = arith.constant 0 : i32
    %dma_wait3A_206 = tpu.memref_slice %arg10[%dma_wait3A_204, %dma_wait3A_205] : memref<64x129xf32, #tpu.memory_space<vmem>> -> memref<8x128xf32, #tpu.memory_space<vmem>>
    tpu.wait_dma2 semaphore(%arg15 : memref<!tpu.dma_semaphore, #tpu.memory_space<semaphore_mem>>) src(%dma_wait3A_206 : memref<8x128xf32, #tpu.memory_space<vmem>>) dst(%dma_wait3A_203 : memref<8x128xf32, #tpu.memory_space<hbm>>)
    %dma_wait3A_207 = arith.constant 0 : i32
    %dma_wait3A_208 = arith.constant 0 : i32
    %dma_wait3A_209 = tpu.memref_slice %arg10[%dma_wait3A_207, %dma_wait3A_208] : memref<64x129xf32, #tpu.memory_space<vmem>> -> memref<8x128xf32, #tpu.memory_space<vmem>>
    %dma_wait3A_210 = arith.constant 0 : i32
    %dma_wait3A_211 = arith.constant 0 : i32
    %dma_wait3A_212 = tpu.memref_slice %arg5[%dma_wait3A_210, %dma_wait3A_211] : memref<102400x128xf32, #tpu.memory_space<hbm>> -> memref<8x128xf32, #tpu.memory_space<hbm>>
    %dma_wait3A_213 = arith.constant 0 : i32
    %dma_wait3A_214 = arith.constant 0 : i32
    %dma_wait3A_215 = tpu.memref_slice %arg5[%dma_wait3A_213, %dma_wait3A_214] : memref<102400x128xf32, #tpu.memory_space<hbm>> -> memref<8x128xf32, #tpu.memory_space<hbm>>
    %dma_wait3A_216 = arith.constant 0 : i32
    %dma_wait3A_217 = arith.constant 0 : i32
    %dma_wait3A_218 = tpu.memref_slice %arg10[%dma_wait3A_216, %dma_wait3A_217] : memref<64x129xf32, #tpu.memory_space<vmem>> -> memref<8x128xf32, #tpu.memory_space<vmem>>
    tpu.wait_dma2 semaphore(%arg15 : memref<!tpu.dma_semaphore, #tpu.memory_space<semaphore_mem>>) src(%dma_wait3A_218 : memref<8x128xf32, #tpu.memory_space<vmem>>) dst(%dma_wait3A_215 : memref<8x128xf32, #tpu.memory_space<hbm>>)
    %dma_wait3A_219 = arith.constant 0 : i32
    %dma_wait3A_220 = arith.constant 0 : i32
    %dma_wait3A_221 = tpu.memref_slice %arg10[%dma_wait3A_219, %dma_wait3A_220] : memref<64x129xf32, #tpu.memory_space<vmem>> -> memref<8x128xf32, #tpu.memory_space<vmem>>
    %dma_wait3A_222 = arith.constant 0 : i32
    %dma_wait3A_223 = arith.constant 0 : i32
    %dma_wait3A_224 = tpu.memref_slice %arg5[%dma_wait3A_222, %dma_wait3A_223] : memref<102400x128xf32, #tpu.memory_space<hbm>> -> memref<8x128xf32, #tpu.memory_space<hbm>>
    %dma_wait3A_225 = arith.constant 0 : i32
    %dma_wait3A_226 = arith.constant 0 : i32
    %dma_wait3A_227 = tpu.memref_slice %arg5[%dma_wait3A_225, %dma_wait3A_226] : memref<102400x128xf32, #tpu.memory_space<hbm>> -> memref<8x128xf32, #tpu.memory_space<hbm>>
    %dma_wait3A_228 = arith.constant 0 : i32
    %dma_wait3A_229 = arith.constant 0 : i32
    %dma_wait3A_230 = tpu.memref_slice %arg10[%dma_wait3A_228, %dma_wait3A_229] : memref<64x129xf32, #tpu.memory_space<vmem>> -> memref<8x128xf32, #tpu.memory_space<vmem>>
    tpu.wait_dma2 semaphore(%arg15 : memref<!tpu.dma_semaphore, #tpu.memory_space<semaphore_mem>>) src(%dma_wait3A_230 : memref<8x128xf32, #tpu.memory_space<vmem>>) dst(%dma_wait3A_227 : memref<8x128xf32, #tpu.memory_space<hbm>>)
    %dma_wait3A_231 = arith.constant 0 : i32
    %dma_wait3A_232 = arith.constant 0 : i32
    %dma_wait3A_233 = tpu.memref_slice %arg10[%dma_wait3A_231, %dma_wait3A_232] : memref<64x129xf32, #tpu.memory_space<vmem>> -> memref<8x128xf32, #tpu.memory_space<vmem>>
    %dma_wait3A_234 = arith.constant 0 : i32
    %dma_wait3A_235 = arith.constant 0 : i32
    %dma_wait3A_236 = tpu.memref_slice %arg5[%dma_wait3A_234, %dma_wait3A_235] : memref<102400x128xf32, #tpu.memory_space<hbm>> -> memref<8x128xf32, #tpu.memory_space<hbm>>
    %dma_wait3A_237 = arith.constant 0 : i32
    %dma_wait3A_238 = arith.constant 0 : i32
    %dma_wait3A_239 = tpu.memref_slice %arg5[%dma_wait3A_237, %dma_wait3A_238] : memref<102400x128xf32, #tpu.memory_space<hbm>> -> memref<8x128xf32, #tpu.memory_space<hbm>>
    %dma_wait3A_240 = arith.constant 0 : i32
    %dma_wait3A_241 = arith.constant 0 : i32
    %dma_wait3A_242 = tpu.memref_slice %arg10[%dma_wait3A_240, %dma_wait3A_241] : memref<64x129xf32, #tpu.memory_space<vmem>> -> memref<8x128xf32, #tpu.memory_space<vmem>>
    tpu.wait_dma2 semaphore(%arg15 : memref<!tpu.dma_semaphore, #tpu.memory_space<semaphore_mem>>) src(%dma_wait3A_242 : memref<8x128xf32, #tpu.memory_space<vmem>>) dst(%dma_wait3A_239 : memref<8x128xf32, #tpu.memory_space<hbm>>)
    %dma_wait3A_243 = arith.constant 0 : i32
    %dma_wait3A_244 = arith.constant 0 : i32
    %dma_wait3A_245 = tpu.memref_slice %arg10[%dma_wait3A_243, %dma_wait3A_244] : memref<64x129xf32, #tpu.memory_space<vmem>> -> memref<8x128xf32, #tpu.memory_space<vmem>>
    %dma_wait3A_246 = arith.constant 0 : i32
    %dma_wait3A_247 = arith.constant 0 : i32
    %dma_wait3A_248 = tpu.memref_slice %arg5[%dma_wait3A_246, %dma_wait3A_247] : memref<102400x128xf32, #tpu.memory_space<hbm>> -> memref<8x128xf32, #tpu.memory_space<hbm>>
    %dma_wait3A_249 = arith.constant 0 : i32
    %dma_wait3A_250 = arith.constant 0 : i32
    %dma_wait3A_251 = tpu.memref_slice %arg5[%dma_wait3A_249, %dma_wait3A_250] : memref<102400x128xf32, #tpu.memory_space<hbm>> -> memref<8x128xf32, #tpu.memory_space<hbm>>
    %dma_wait3A_252 = arith.constant 0 : i32
    %dma_wait3A_253 = arith.constant 0 : i32
    %dma_wait3A_254 = tpu.memref_slice %arg10[%dma_wait3A_252, %dma_wait3A_253] : memref<64x129xf32, #tpu.memory_space<vmem>> -> memref<8x128xf32, #tpu.memory_space<vmem>>
    tpu.wait_dma2 semaphore(%arg15 : memref<!tpu.dma_semaphore, #tpu.memory_space<semaphore_mem>>) src(%dma_wait3A_254 : memref<8x128xf32, #tpu.memory_space<vmem>>) dst(%dma_wait3A_251 : memref<8x128xf32, #tpu.memory_space<hbm>>)
    %dma_wait3A_255 = arith.constant 0 : i32
    %dma_wait3A_256 = arith.constant 0 : i32
    %dma_wait3A_257 = tpu.memref_slice %arg10[%dma_wait3A_255, %dma_wait3A_256] : memref<64x129xf32, #tpu.memory_space<vmem>> -> memref<8x128xf32, #tpu.memory_space<vmem>>
    %dma_wait3A_258 = arith.constant 0 : i32
    %dma_wait3A_259 = arith.constant 0 : i32
    %dma_wait3A_260 = tpu.memref_slice %arg5[%dma_wait3A_258, %dma_wait3A_259] : memref<102400x128xf32, #tpu.memory_space<hbm>> -> memref<8x128xf32, #tpu.memory_space<hbm>>
    %dma_wait3A_261 = arith.constant 0 : i32
    %dma_wait3A_262 = arith.constant 0 : i32
    %dma_wait3A_263 = tpu.memref_slice %arg5[%dma_wait3A_261, %dma_wait3A_262] : memref<102400x128xf32, #tpu.memory_space<hbm>> -> memref<8x128xf32, #tpu.memory_space<hbm>>
    %dma_wait3A_264 = arith.constant 0 : i32
    %dma_wait3A_265 = arith.constant 0 : i32
    %dma_wait3A_266 = tpu.memref_slice %arg10[%dma_wait3A_264, %dma_wait3A_265] : memref<64x129xf32, #tpu.memory_space<vmem>> -> memref<8x128xf32, #tpu.memory_space<vmem>>
    tpu.wait_dma2 semaphore(%arg15 : memref<!tpu.dma_semaphore, #tpu.memory_space<semaphore_mem>>) src(%dma_wait3A_266 : memref<8x128xf32, #tpu.memory_space<vmem>>) dst(%dma_wait3A_263 : memref<8x128xf32, #tpu.memory_space<hbm>>)
    %dma_wait3A_267 = arith.constant 0 : i32
    %dma_wait3A_268 = arith.constant 0 : i32
    %dma_wait3A_269 = tpu.memref_slice %arg10[%dma_wait3A_267, %dma_wait3A_268] : memref<64x129xf32, #tpu.memory_space<vmem>> -> memref<8x128xf32, #tpu.memory_space<vmem>>
    %dma_wait3A_270 = arith.constant 0 : i32
    %dma_wait3A_271 = arith.constant 0 : i32
    %dma_wait3A_272 = tpu.memref_slice %arg5[%dma_wait3A_270, %dma_wait3A_271] : memref<102400x128xf32, #tpu.memory_space<hbm>> -> memref<8x128xf32, #tpu.memory_space<hbm>>
    %dma_wait3A_273 = arith.constant 0 : i32
    %dma_wait3A_274 = arith.constant 0 : i32
    %dma_wait3A_275 = tpu.memref_slice %arg5[%dma_wait3A_273, %dma_wait3A_274] : memref<102400x128xf32, #tpu.memory_space<hbm>> -> memref<8x128xf32, #tpu.memory_space<hbm>>
    %dma_wait3A_276 = arith.constant 0 : i32
    %dma_wait3A_277 = arith.constant 0 : i32
    %dma_wait3A_278 = tpu.memref_slice %arg10[%dma_wait3A_276, %dma_wait3A_277] : memref<64x129xf32, #tpu.memory_space<vmem>> -> memref<8x128xf32, #tpu.memory_space<vmem>>
    tpu.wait_dma2 semaphore(%arg15 : memref<!tpu.dma_semaphore, #tpu.memory_space<semaphore_mem>>) src(%dma_wait3A_278 : memref<8x128xf32, #tpu.memory_space<vmem>>) dst(%dma_wait3A_275 : memref<8x128xf32, #tpu.memory_space<hbm>>)
    %dma_wait3A_279 = arith.constant 0 : i32
    %dma_wait3A_280 = arith.constant 0 : i32
    %dma_wait3A_281 = tpu.memref_slice %arg11[%dma_wait3A_279, %dma_wait3A_280] : memref<64x129xf32, #tpu.memory_space<vmem>> -> memref<8x128xf32, #tpu.memory_space<vmem>>
    %dma_wait3A_282 = arith.constant 0 : i32
    %dma_wait3A_283 = arith.constant 0 : i32
    %dma_wait3A_284 = tpu.memref_slice %arg5[%dma_wait3A_282, %dma_wait3A_283] : memref<102400x128xf32, #tpu.memory_space<hbm>> -> memref<8x128xf32, #tpu.memory_space<hbm>>
    %dma_wait3A_285 = arith.constant 0 : i32
    %dma_wait3A_286 = arith.constant 0 : i32
    %dma_wait3A_287 = tpu.memref_slice %arg5[%dma_wait3A_285, %dma_wait3A_286] : memref<102400x128xf32, #tpu.memory_space<hbm>> -> memref<8x128xf32, #tpu.memory_space<hbm>>
    %dma_wait3A_288 = arith.constant 0 : i32
    %dma_wait3A_289 = arith.constant 0 : i32
    %dma_wait3A_290 = tpu.memref_slice %arg11[%dma_wait3A_288, %dma_wait3A_289] : memref<64x129xf32, #tpu.memory_space<vmem>> -> memref<8x128xf32, #tpu.memory_space<vmem>>
    tpu.wait_dma2 semaphore(%arg16 : memref<!tpu.dma_semaphore, #tpu.memory_space<semaphore_mem>>) src(%dma_wait3A_290 : memref<8x128xf32, #tpu.memory_space<vmem>>) dst(%dma_wait3A_287 : memref<8x128xf32, #tpu.memory_space<hbm>>)
    %dma_wait3A_291 = arith.constant 0 : i32
    %dma_wait3A_292 = arith.constant 0 : i32
    %dma_wait3A_293 = tpu.memref_slice %arg11[%dma_wait3A_291, %dma_wait3A_292] : memref<64x129xf32, #tpu.memory_space<vmem>> -> memref<8x128xf32, #tpu.memory_space<vmem>>
    %dma_wait3A_294 = arith.constant 0 : i32
    %dma_wait3A_295 = arith.constant 0 : i32
    %dma_wait3A_296 = tpu.memref_slice %arg5[%dma_wait3A_294, %dma_wait3A_295] : memref<102400x128xf32, #tpu.memory_space<hbm>> -> memref<8x128xf32, #tpu.memory_space<hbm>>
    %dma_wait3A_297 = arith.constant 0 : i32
    %dma_wait3A_298 = arith.constant 0 : i32
    %dma_wait3A_299 = tpu.memref_slice %arg5[%dma_wait3A_297, %dma_wait3A_298] : memref<102400x128xf32, #tpu.memory_space<hbm>> -> memref<8x128xf32, #tpu.memory_space<hbm>>
    %dma_wait3A_300 = arith.constant 0 : i32
    %dma_wait3A_301 = arith.constant 0 : i32
    %dma_wait3A_302 = tpu.memref_slice %arg11[%dma_wait3A_300, %dma_wait3A_301] : memref<64x129xf32, #tpu.memory_space<vmem>> -> memref<8x128xf32, #tpu.memory_space<vmem>>
    tpu.wait_dma2 semaphore(%arg16 : memref<!tpu.dma_semaphore, #tpu.memory_space<semaphore_mem>>) src(%dma_wait3A_302 : memref<8x128xf32, #tpu.memory_space<vmem>>) dst(%dma_wait3A_299 : memref<8x128xf32, #tpu.memory_space<hbm>>)
    %dma_wait3A_303 = arith.constant 0 : i32
    %dma_wait3A_304 = arith.constant 0 : i32
    %dma_wait3A_305 = tpu.memref_slice %arg11[%dma_wait3A_303, %dma_wait3A_304] : memref<64x129xf32, #tpu.memory_space<vmem>> -> memref<8x128xf32, #tpu.memory_space<vmem>>
    %dma_wait3A_306 = arith.constant 0 : i32
    %dma_wait3A_307 = arith.constant 0 : i32
    %dma_wait3A_308 = tpu.memref_slice %arg5[%dma_wait3A_306, %dma_wait3A_307] : memref<102400x128xf32, #tpu.memory_space<hbm>> -> memref<8x128xf32, #tpu.memory_space<hbm>>
    %dma_wait3A_309 = arith.constant 0 : i32
    %dma_wait3A_310 = arith.constant 0 : i32
    %dma_wait3A_311 = tpu.memref_slice %arg5[%dma_wait3A_309, %dma_wait3A_310] : memref<102400x128xf32, #tpu.memory_space<hbm>> -> memref<8x128xf32, #tpu.memory_space<hbm>>
    %dma_wait3A_312 = arith.constant 0 : i32
    %dma_wait3A_313 = arith.constant 0 : i32
    %dma_wait3A_314 = tpu.memref_slice %arg11[%dma_wait3A_312, %dma_wait3A_313] : memref<64x129xf32, #tpu.memory_space<vmem>> -> memref<8x128xf32, #tpu.memory_space<vmem>>
    tpu.wait_dma2 semaphore(%arg16 : memref<!tpu.dma_semaphore, #tpu.memory_space<semaphore_mem>>) src(%dma_wait3A_314 : memref<8x128xf32, #tpu.memory_space<vmem>>) dst(%dma_wait3A_311 : memref<8x128xf32, #tpu.memory_space<hbm>>)
    %dma_wait3A_315 = arith.constant 0 : i32
    %dma_wait3A_316 = arith.constant 0 : i32
    %dma_wait3A_317 = tpu.memref_slice %arg11[%dma_wait3A_315, %dma_wait3A_316] : memref<64x129xf32, #tpu.memory_space<vmem>> -> memref<8x128xf32, #tpu.memory_space<vmem>>
    %dma_wait3A_318 = arith.constant 0 : i32
    %dma_wait3A_319 = arith.constant 0 : i32
    %dma_wait3A_320 = tpu.memref_slice %arg5[%dma_wait3A_318, %dma_wait3A_319] : memref<102400x128xf32, #tpu.memory_space<hbm>> -> memref<8x128xf32, #tpu.memory_space<hbm>>
    %dma_wait3A_321 = arith.constant 0 : i32
    %dma_wait3A_322 = arith.constant 0 : i32
    %dma_wait3A_323 = tpu.memref_slice %arg5[%dma_wait3A_321, %dma_wait3A_322] : memref<102400x128xf32, #tpu.memory_space<hbm>> -> memref<8x128xf32, #tpu.memory_space<hbm>>
    %dma_wait3A_324 = arith.constant 0 : i32
    %dma_wait3A_325 = arith.constant 0 : i32
    %dma_wait3A_326 = tpu.memref_slice %arg11[%dma_wait3A_324, %dma_wait3A_325] : memref<64x129xf32, #tpu.memory_space<vmem>> -> memref<8x128xf32, #tpu.memory_space<vmem>>
    tpu.wait_dma2 semaphore(%arg16 : memref<!tpu.dma_semaphore, #tpu.memory_space<semaphore_mem>>) src(%dma_wait3A_326 : memref<8x128xf32, #tpu.memory_space<vmem>>) dst(%dma_wait3A_323 : memref<8x128xf32, #tpu.memory_space<hbm>>)
    %dma_wait3A_327 = arith.constant 0 : i32
    %dma_wait3A_328 = arith.constant 0 : i32
    %dma_wait3A_329 = tpu.memref_slice %arg11[%dma_wait3A_327, %dma_wait3A_328] : memref<64x129xf32, #tpu.memory_space<vmem>> -> memref<8x128xf32, #tpu.memory_space<vmem>>
    %dma_wait3A_330 = arith.constant 0 : i32
    %dma_wait3A_331 = arith.constant 0 : i32
    %dma_wait3A_332 = tpu.memref_slice %arg5[%dma_wait3A_330, %dma_wait3A_331] : memref<102400x128xf32, #tpu.memory_space<hbm>> -> memref<8x128xf32, #tpu.memory_space<hbm>>
    %dma_wait3A_333 = arith.constant 0 : i32
    %dma_wait3A_334 = arith.constant 0 : i32
    %dma_wait3A_335 = tpu.memref_slice %arg5[%dma_wait3A_333, %dma_wait3A_334] : memref<102400x128xf32, #tpu.memory_space<hbm>> -> memref<8x128xf32, #tpu.memory_space<hbm>>
    %dma_wait3A_336 = arith.constant 0 : i32
    %dma_wait3A_337 = arith.constant 0 : i32
    %dma_wait3A_338 = tpu.memref_slice %arg11[%dma_wait3A_336, %dma_wait3A_337] : memref<64x129xf32, #tpu.memory_space<vmem>> -> memref<8x128xf32, #tpu.memory_space<vmem>>
    tpu.wait_dma2 semaphore(%arg16 : memref<!tpu.dma_semaphore, #tpu.memory_space<semaphore_mem>>) src(%dma_wait3A_338 : memref<8x128xf32, #tpu.memory_space<vmem>>) dst(%dma_wait3A_335 : memref<8x128xf32, #tpu.memory_space<hbm>>)
    %dma_wait3A_339 = arith.constant 0 : i32
    %dma_wait3A_340 = arith.constant 0 : i32
    %dma_wait3A_341 = tpu.memref_slice %arg11[%dma_wait3A_339, %dma_wait3A_340] : memref<64x129xf32, #tpu.memory_space<vmem>> -> memref<8x128xf32, #tpu.memory_space<vmem>>
    %dma_wait3A_342 = arith.constant 0 : i32
    %dma_wait3A_343 = arith.constant 0 : i32
    %dma_wait3A_344 = tpu.memref_slice %arg5[%dma_wait3A_342, %dma_wait3A_343] : memref<102400x128xf32, #tpu.memory_space<hbm>> -> memref<8x128xf32, #tpu.memory_space<hbm>>
    %dma_wait3A_345 = arith.constant 0 : i32
    %dma_wait3A_346 = arith.constant 0 : i32
    %dma_wait3A_347 = tpu.memref_slice %arg5[%dma_wait3A_345, %dma_wait3A_346] : memref<102400x128xf32, #tpu.memory_space<hbm>> -> memref<8x128xf32, #tpu.memory_space<hbm>>
    %dma_wait3A_348 = arith.constant 0 : i32
    %dma_wait3A_349 = arith.constant 0 : i32
    %dma_wait3A_350 = tpu.memref_slice %arg11[%dma_wait3A_348, %dma_wait3A_349] : memref<64x129xf32, #tpu.memory_space<vmem>> -> memref<8x128xf32, #tpu.memory_space<vmem>>
    tpu.wait_dma2 semaphore(%arg16 : memref<!tpu.dma_semaphore, #tpu.memory_space<semaphore_mem>>) src(%dma_wait3A_350 : memref<8x128xf32, #tpu.memory_space<vmem>>) dst(%dma_wait3A_347 : memref<8x128xf32, #tpu.memory_space<hbm>>)
    %dma_wait3A_351 = arith.constant 0 : i32
    %dma_wait3A_352 = arith.constant 0 : i32
    %dma_wait3A_353 = tpu.memref_slice %arg11[%dma_wait3A_351, %dma_wait3A_352] : memref<64x129xf32, #tpu.memory_space<vmem>> -> memref<8x128xf32, #tpu.memory_space<vmem>>
    %dma_wait3A_354 = arith.constant 0 : i32
    %dma_wait3A_355 = arith.constant 0 : i32
    %dma_wait3A_356 = tpu.memref_slice %arg5[%dma_wait3A_354, %dma_wait3A_355] : memref<102400x128xf32, #tpu.memory_space<hbm>> -> memref<8x128xf32, #tpu.memory_space<hbm>>
    %dma_wait3A_357 = arith.constant 0 : i32
    %dma_wait3A_358 = arith.constant 0 : i32
    %dma_wait3A_359 = tpu.memref_slice %arg5[%dma_wait3A_357, %dma_wait3A_358] : memref<102400x128xf32, #tpu.memory_space<hbm>> -> memref<8x128xf32, #tpu.memory_space<hbm>>
    %dma_wait3A_360 = arith.constant 0 : i32
    %dma_wait3A_361 = arith.constant 0 : i32
    %dma_wait3A_362 = tpu.memref_slice %arg11[%dma_wait3A_360, %dma_wait3A_361] : memref<64x129xf32, #tpu.memory_space<vmem>> -> memref<8x128xf32, #tpu.memory_space<vmem>>
    tpu.wait_dma2 semaphore(%arg16 : memref<!tpu.dma_semaphore, #tpu.memory_space<semaphore_mem>>) src(%dma_wait3A_362 : memref<8x128xf32, #tpu.memory_space<vmem>>) dst(%dma_wait3A_359 : memref<8x128xf32, #tpu.memory_space<hbm>>)
    %dma_wait3A_363 = arith.constant 0 : i32
    %dma_wait3A_364 = arith.constant 0 : i32
    %dma_wait3A_365 = tpu.memref_slice %arg11[%dma_wait3A_363, %dma_wait3A_364] : memref<64x129xf32, #tpu.memory_space<vmem>> -> memref<8x128xf32, #tpu.memory_space<vmem>>
    %dma_wait3A_366 = arith.constant 0 : i32
    %dma_wait3A_367 = arith.constant 0 : i32
    %dma_wait3A_368 = tpu.memref_slice %arg5[%dma_wait3A_366, %dma_wait3A_367] : memref<102400x128xf32, #tpu.memory_space<hbm>> -> memref<8x128xf32, #tpu.memory_space<hbm>>
    %dma_wait3A_369 = arith.constant 0 : i32
    %dma_wait3A_370 = arith.constant 0 : i32
    %dma_wait3A_371 = tpu.memref_slice %arg5[%dma_wait3A_369, %dma_wait3A_370] : memref<102400x128xf32, #tpu.memory_space<hbm>> -> memref<8x128xf32, #tpu.memory_space<hbm>>
    %dma_wait3A_372 = arith.constant 0 : i32
    %dma_wait3A_373 = arith.constant 0 : i32
    %dma_wait3A_374 = tpu.memref_slice %arg11[%dma_wait3A_372, %dma_wait3A_373] : memref<64x129xf32, #tpu.memory_space<vmem>> -> memref<8x128xf32, #tpu.memory_space<vmem>>
    tpu.wait_dma2 semaphore(%arg16 : memref<!tpu.dma_semaphore, #tpu.memory_space<semaphore_mem>>) src(%dma_wait3A_374 : memref<8x128xf32, #tpu.memory_space<vmem>>) dst(%dma_wait3A_371 : memref<8x128xf32, #tpu.memory_space<hbm>>)
    return
  }
}

</mosaic_0001>

<sc_bundles>
// kernel: _run.3.cloned.1.call-start
scs
__scs_entry_jumppad:
0x0: {  	(pc) =	sbr.rel $0x88, $3  }
0x1: {  	(tag) =	ssettag $0x0;
	lr =	simm.s32 $0x1  }
0x2: {  	[smem:$0x3F9E] =	sst lr;
	_ =	strace $0xD0000000  }
0x3: {  	_ = 	snop  }
0x4: {  	_ = 	snop  }
0x5: {  	_ = 	snop  }
0x6: {  	_ = 	snop  }
0x7: {  	_ = 	snop  }
__scs_overlays_trampoline_lowered:
0x8: {  	[smem:$0x3FAD] =	sst s0  }
0x9: {  	[smem:$0x3FAE] =	sst s1  }
0xa: {  	[smem:$0x3FAF] =	sst s2  }
0xb: {  	[smem:$0x3FB0] =	sst s3  }
0xc: {  	[smem:$0x3FB1] =	sst s4  }
0xd: {  	[smem:$0x3FB2] =	sst s5  }
0xe: {  	[smem:$0x3FB3] =	sst s6  }
0xf: {  	[smem:$0x3FB4] =	sst s7  }
0x10: {  	[smem:$0x3FB5] =	sst s8  }
0x11: {  	[smem:$0x3FB6] =	sst s9;
	s0 =	simm.s32 @!p0 $0x0  }
0x12: {  	s1 =	sld [smem:$0x3F9C];
	s0 =	simm.s32 @p0 $0x1  }
0x13: {  	[smem:$0x3FB7] =	sst s0;
	s0 =	simm.s32 @!p1 $0x0  }
0x14: {  	s2 =	sld [smem:$0x3F9B];
	s0 =	simm.s32 @p1 $0x1  }
0x15: {  	[smem:$0x3FB8] =	sst s0;
	s0 =	simm.s32 @!p2 $0x0  }
0x16: {  	s3 =	sld [smem:$0x3FDB];
	s0 =	simm.s32 @p2 $0x1  }
0x17: {  	s4 =	simm.s32 $0x1BF5;
	[smem:$0x3FBA] =	sst s0  }
0x18: {  	s0 =	sld [smem:$0x3F9D];
	_ =	swait.ge [sflag:s4], $0x0  }
0x19: {  	s7 =	sld [smem:$0x3F9E]  }
0x1a: {  	s8 =	sadd.s32 $0xFFFFE003, lr  }
0x1b: {  	s9 =	sadd.s32 $0xFFFFFEF7, lr;
	s5 =	simm.s32 $0xFFFFFFFF;
	p2 =	slt.u32 s8, $0xFFFFF086  }
0x1c: {  	p1 =	slt.u32 s9, $0xF7A;
	s5 =	simm.s32 @!p2 $0x0  }
0x1d: {  	s5 =	simm.s32 @p1 $0x1;
	p0 =	seq.s32 s7, s2  }
0x1e: {  	s7 =	smul.u32 @!p0 $0xF7A, s2;
	p2 =	seq.s32 @!p0 s5, $0x0  }
0x1f: {  	s9 =	smul.u32 $0xF7A, s1;
	s8 =	simm.s32 @!p0 $0x1BF5;
	p2 =	por !p2, p0  }
0x20: {  	[sflag:s8] =	ssyncset.s32 @!p0 $0xFFFFF086;
	s6 =	sadd.s32 @!p0 s3, s7;
	s7 =	simm.s32 @!p0 $0x108  }
0x21: {  	s3 =	sadd.s32 s3, s9;
	s6 =	sadd.s32 @!p0 $0x88, s6;
	s7 =	simm.s32 @p2 $0x1082  }
0x22: {  	[simem:s7], [sflag:s8] =	dma.local @!p0 [hbm:s6], $0xF7A  }
0x23: {  	s9 =	sor.u32 $0xD0000000, s2;
	s6 =	simm.s32 $0x108;
	_ =	swait.ge @!p0 [sflag:s8], $0x0  }
0x24: {  	s3 =	sadd.s32 $0x88, s3;
	s6 =	simm.s32 @!p1 $0x1082;
	[sflag:s4] =	ssyncset.s32 $0xFFFFF086  }
0x25: {  	[simem:s6], [sflag:s4] =	dma.local [hbm:s3], $0xF7A  }
0x26: {  	[smem:$0x3F9E] =	sst s1;
	(tag) =	ssettag s2;
	_ =	strace s9  }
0x27: {  	s1 =	sld [smem:$0x3FAE]  }
0x28: {  	s2 =	sld [smem:$0x3FAF]  }
0x29: {  	s4 =	sld [smem:$0x3FB1]  }
0x2a: {  	p0 =	seq.s32 s5, $0x0;
	s5 =	sld [smem:$0x3FB2]  }
0x2b: {  	s6 =	sld [smem:$0x3FB3]  }
0x2c: {  	s7 =	sld [smem:$0x3FB4]  }
0x2d: {  	s3 =	simm.s32 $0x108;
	s8 =	sld [smem:$0x3FB5]  }
0x2e: {  	s3 =	simm.s32 @!p0 $0x1082;
	s9 =	sld [smem:$0x3FB6]  }
0x2f: {  	lr =	sadd.s32 s0, s3;
	s0 =	sld [smem:$0x3FAD]  }
0x30: {  	s3 =	sld [smem:$0x3FB0]  }
0x31: {  	[smem:$0x3FB9] =	sst s10  }
0x32: {  	s10 =	sld [smem:$0x3FB7];
	_ =	sdelay $0x3  }
0x33: {  	p0 =	seq.s32 s10, $0x1;
	s10 =	sld [smem:$0x3FB9];
	_ =	sdelay $0x3  }
0x34: {  	[smem:$0x3FB9] =	sst s10  }
0x35: {  	s10 =	sld [smem:$0x3FB8];
	_ =	sdelay $0x3  }
0x36: {  	p1 =	seq.s32 s10, $0x1;
	s10 =	sld [smem:$0x3FB9];
	_ =	sdelay $0x3  }
0x37: {  	[smem:$0x3FB9] =	sst s10  }
0x38: {  	s10 =	sld [smem:$0x3FBA]  }
0x39: {  	_ = 	snop;
	(pc) =	sbr.ind lr, $3  }
0x3a: {  	_ = 	snop  }
0x3b: {  	_ = 	snop  }
0x3c: {  	p2 =	seq.s32 s10, $0x1;
	s10 =	sld [smem:$0x3FB9]  }
0x3d: {  	_ =	shalt  }
0x3e: {  	_ =	shalt  }
0x3f: {  	_ =	shalt  }
0x40: {  	_ =	shalt  }
0x41: {  	_ =	shalt  }
0x42: {  	_ =	shalt  }
0x43: {  	_ =	shalt  }
0x44: {  	_ =	shalt  }
0x45: {  	_ =	shalt  }
0x46: {  	_ =	shalt  }
0x47: {  	_ =	shalt  }
0x48: {  	_ =	shalt  }
0x49: {  	_ =	shalt  }
0x4a: {  	_ =	shalt  }
0x4b: {  	_ =	shalt  }
0x4c: {  	_ =	shalt  }
0x4d: {  	_ =	shalt  }
0x4e: {  	_ =	shalt  }
0x4f: {  	_ =	shalt  }
0x50: {  	_ =	shalt  }
0x51: {  	_ =	shalt  }
0x52: {  	_ =	shalt  }
0x53: {  	_ =	shalt  }
0x54: {  	_ =	shalt  }
0x55: {  	_ =	shalt  }
0x56: {  	_ =	shalt  }
0x57: {  	_ =	shalt  }
0x58: {  	_ =	shalt  }
0x59: {  	_ =	shalt  }
0x5a: {  	_ =	shalt  }
0x5b: {  	_ =	shalt  }
0x5c: {  	_ =	shalt  }
0x5d: {  	_ =	shalt  }
0x5e: {  	_ =	shalt  }
0x5f: {  	_ =	shalt  }
0x60: {  	_ =	shalt  }
0x61: {  	_ =	shalt  }
0x62: {  	_ =	shalt  }
0x63: {  	_ =	shalt  }
0x64: {  	_ =	shalt  }
0x65: {  	_ =	shalt  }
0x66: {  	_ =	shalt  }
0x67: {  	_ =	shalt  }
0x68: {  	_ =	shalt  }
0x69: {  	_ =	shalt  }
0x6a: {  	_ =	shalt  }
0x6b: {  	_ =	shalt  }
0x6c: {  	_ =	shalt  }
0x6d: {  	_ =	shalt  }
0x6e: {  	_ =	shalt  }
0x6f: {  	_ =	shalt  }
0x70: {  	_ =	shalt  }
0x71: {  	_ =	shalt  }
0x72: {  	_ =	shalt  }
0x73: {  	_ =	shalt  }
0x74: {  	_ =	shalt  }
0x75: {  	_ =	shalt  }
0x76: {  	_ =	shalt  }
0x77: {  	_ =	shalt  }
0x78: {  	_ =	shalt  }
0x79: {  	_ =	shalt  }
0x7a: {  	_ =	shalt  }
0x7b: {  	_ =	shalt  }
0x7c: {  	_ =	shalt  }
0x7d: {  	_ =	shalt  }
0x7e: {  	_ =	shalt  }
0x7f: {  	_ =	shalt  }
0x80: {  	_ =	shalt  }
0x81: {  	_ =	shalt  }
0x82: {  	_ =	shalt  }
0x83: {  	_ =	shalt  }
0x84: {  	_ =	shalt  }
0x85: {  	_ =	shalt  }
0x86: {  	_ =	shalt  }
0x87: {  	_ =	shalt  }
.Lfunc_end0:
.L_simem_size_0:
called_computation_lowered:
.L_overlay_start_0:
0x88: {  	s2 =	sld [smem:$0x3FD9]  }
0x89: {  	s3 =	sld [smem:$0x3FFE];
	_ =	sdelay $0x1  }
0x8a: {  	s1 =	srdreg.scid  }
0x8b: {  	s0 =	sand.u32 $0x1, s1  }
0x8c: {  	s17 =	sshll.u32 s0, $0xA;
	s2 =	sadd.s32 s3, s2  }
0x8d: {  	s2 =	sadd.s32 s2, s17  }
0x8e: {  	[smem:$0x3FC5] =	sst s2  }
0x8f: {  	_ = 	snop  }
0x90: {  	s2 =	sld [smem:$0x3FC9]  }
0x91: {  	s18 =	sld [smem:$0x3FD0];
	(tm) =	ssettm $0x1  }
0x92: {  	s4 =	sld [smem:$0x3FFB];
	_ =	sdelay $0x3  }
0x93: {  	_ =	strace s4  }
0x94: {  	s4 =	sld [smem:$0x3FFC];
	_ =	sdelay $0x3  }
0x95: {  	_ =	strace s4  }
0x96: {  	s4 =	sld [smem:$0x3FFD];
	_ =	sdelay $0x3  }
0x97: {  	_ =	strace s4  }
0x98: {  	_ =	strace $0x8FFFFFFF  }
0x99: {  	s19 =	sld [smem:$0x3FDB];
	_ =	sdelay $0x1  }
0x9a: {  	s5 =	simm.s32 $_scs_section_size  }
0x9b: {  	s6 =	simm.s32 $_size__tile_overlayer_lowered;
	s7 =	simm.s32 $_tile_overlayer_lowered  }
0x9c: {  	s22 =	simm.s32 $0x1BFF;
	s21 =	sshll.u32 s7, $0x1;
	s4 =	sadd.s32 s5, s19  }
0x9d: {  	s8 =	simm.s32 $0x0;
	s20 =	sshll.u32 s6, $0x1;
	s6 =	sadd.s32 s21, s4  }
0x9e: {  	[timem:s8], [sflag:s22] =	dma.local [hbm:s6], s20  }
0x9f: {  	_ =	swait.ge [sflag:s22], s20  }
0xa0: {  	s5 =	ssub.s32 $0x0, s20;
	[sflag:s22] =	ssyncset.done $0x0  }
0xa1: {  	[sflag:s22] =	ssyncadd.s32 s5;
	_ =	sdelay $0x1  }
0xa2: {  	s23 =	simm.s32 $0x1B8B  }
0xa3: {  	_ =	swait.ge [sflag:s23], $0x1  }
0xa4: {  	[sflag:s23] =	ssyncset.done $0x0  }
0xa5: {  	s25 =	simm.s32 $0x1B8E;
	s24 =	sld [smem:$0x3FFE];
	[sflag:s23] =	ssyncadd.s32 $0xFFFFFFFF  }
0xa6: {  	s26 =	simm.s32 $execute0_lowered;
	[smem:$0x3FD2] =	sst s25  }
0xa7: {  	s6 =	sshll.u32 s26, $0x1;
	_ =	strace $0x80000046;
	[dreg:$0x1] =	wrdreg $0xFFFFFFFF  }
0xa8: {  	s28 =	simm.s32 $_size_execute0_lowered;
	s4 =	sadd.s32 s4, s6;
	[dreg:$0x0] =	wrdreg $0x0  }
0xa9: {  	s6 =	sshll.u32 s28, $0x1;
	[dreg:$0x2] =	wrdreg s4  }
0xaa: {  	[dreg:$0x3] =	wrdreg s6  }
0xab: {  	[dreg:$0x4] =	wrdreg $0xC0  }
0xac: {  	_ =	task [dreg:s8], $0x5FFFF  }
0xad: {  	[dreg:$0x1] =	wrdreg $0xFFFFFFFF  }
0xae: {  	[dreg:$0x0] =	wrdreg $0x60  }
0xaf: {  	[dreg:$0x2] =	wrdreg s2  }
0xb0: {  	[dreg:$0x3] =	wrdreg s24  }
0xb1: {  	[dreg:$0x4] =	wrdreg s18  }
0xb2: {  	[dreg:$0x5] =	wrdreg $0x9  }
0xb3: {  	_ =	task.clear_ibuf [dreg:s8], $0x6FFFF;
	_ =	strace $0x90000046  }
0xb4: {  	s29 =	simm.s32 $0x9;
	_ =	strace $0x80000048  }
0xb5: {  	_ =	swait.ge [sflag:s29], $0x1  }
0xb6: {  	[sflag:s29] =	ssyncadd.s32 $0xFFFFFFFF  }
0xb7: {  	_ =	strace $0x90000048  }
0xb8: {  	_ =	sfence  }
0xb9: {  	s30 =	sld [smem:$0x0];
	_ =	sdelay $0x2  }
0xba: {  	s31 =	sshll.u32 s1, $0xD;
	s1 =	sshrl.u32 s1, $0x2  }
0xbb: {  	s3 =	sand.u32 $0x4000, s31;
	s1 =	sadd.s32 s1, s30  }
0xbc: {  	s0 =	sor.u32 s3, s0;
	s1 =	sshll.u32 s1, $0x11  }
0xbd: {  	s0 =	sor.u32 s1, s0  }
0xbe: {  	s0 =	sadd.s32 $0x8F2B, s0  }
0xbf: {  	[sflag:s0] =	ssyncadd.remote.s32 $0x1  }
0xc0: {  	_ =	sfence.sel $0xFFFF  }
0xc1: {  	[dreg:$0x0] =	wrdreg $0xFFFFFFFF;
	(pc) =	sbr.abs _section_cstart, $3  }
0xc2: {  	[dreg:$0x1] =	wrdreg $0xFFFFFFFF  }
0xc3: {  	_ =	task.clear_ibuf [dreg:s8], $0x2FFFF;
	_ =	strace $0x9FFFFFFF  }
0xc4: {  	(tm) =	ssettm $0x7FFFFFFF  }
0xc5: {  	_ =	shalt  }
tec
execute0_lowered:
.L_overlay_start_1:
0x0: {  	(tag) =	ssettag $0x1  }
0x1: {  	s0 =	rddreg [dreg:$0x0]  }
0x2: {  	s1 =	rddreg [dreg:$0x1];
	s3 =	srdreg.scid  }
0x3: {  	s4 =	stileid.u32;
	s2 =	rddreg [dreg:$0x2]  }
0x4: {  	s28 =	simm.s32 $0xF4F0;
	s29 =	simm.s32 $0xF578;
	s6 =	sand.u32 $0x1, s3  }
0x5: {  	s4 =	sshll.u32 s4, $0x1;
	s3 =	simm.s32 $0x0;
	s5 =	sadd.s32 $0xC00, s1  }
0x6: {  	s1 =	sadd.s32 $0x400, s1;
	s14 =	sadd.s32 $0xC00, s2;
	s15 =	sadd.s32 $0x1000, s2  }
0x7: {  	s16 =	sadd.s32 $0x1400, s2;
	s17 =	sadd.s32 $0x1800, s2;
	s18 =	sadd.s32 $0x1C00, s2  }
0x8: {  	s7 =	sor.u32 s6, s4;
	[smem:$0x7FF] =	sst s3;
	s8 =	ssub.s32 $0x2, s6  }
0x9: {  	s4 =	smul.u32 $0x32, s7;
	_ =	strace $0x80000047;
	s9 =	sshrl.u32 s8, $0x1  }
0xa: {  	s11 =	sshll.u32 s7, $0x4;
	s7 =	smul.u32 $0x320, s7;
	[dreg:$0x4] =	wrdreg s1  }
0xb: {  	s11 =	sand.u32 $0x30, s11;
	s20 =	ssub.s32 s8, s9;
	s10 =	sshrl.u32 s4, $0x3  }
0xc: {  	s6 =	sand.u32 $0x7C0, s4;
	s7 =	sand.u32 $0x7C00, s7;
	s31 =	smax.u32 s20, $0x1  }
0xd: {  	s10 =	sand.u32 $0x7, s10;
	s12 =	sor.u32 s11, s6;
	s23 =	sadd.s32 s0, s7  }
0xe: {  	[dreg:$0x9] =	wrdreg s31;
	p0 =	sgt.u32 s6, $0x5C0;
	s7 =	simm.s32 $0xD400  }
0xf: {  	s13 =	ssub.s32 s10, s6;
	s22 =	sor.u32 s10, s11;
	[dreg:$0x5] =	wrdreg s23  }
0x10: {  	s26 =	sadd.s32 $0x400, s23;
	s21 =	sadd.s32 s12, s13;
	s25 =	sshll.u32 s22, $0x7  }
.Ltmp0:
0x11: {  	[dreg:$0x6] =	wrdreg s26;
	s12 =	sadd.s32 $0x400, s2;
	(pc) =	sbr.rel .LBB2_1-.Ltmp0, $4  }
0x12: {  	v0 =	vlaneseq.u32;
	s13 =	sadd.s32 $0x800, s2;
	s26 =	simm.s32 $0xB200;
	s8 =	sshll.u32 s21, $0x9  }
0x13: {  	v0 =	vmul.u32 $0x88, v0;
	s22 =	simm.s32 $0x3;
	s30 =	sadd.s32 $0x3600, s25;
	s24 =	sshra.s32 s8, $0x2  }
0x14: {  	s25 =	simm.s32 $0x2;
	[dreg:$0x8] =	wrdreg s30;
	s0 =	sadd.s32 $0x3200, s24  }
0x15: {  	v1 =	vadd.s32 $0x880, v0;
	v2 =	vadd.s32 $0x1100, v0;
	v3 =	vadd.s32 $0x1980, v0;
	s8 =	simm.s32 $0x0;
	s24 =	simm.s32 $0x80;
	[dreg:$0x7] =	wrdreg s0  }
.LBB2_8:
0x16: {  	s0 =	simm.s32 $0x4  }
0x17: {  	_ =	swait.ge [sflag:s0], $0x400  }
0x18: {  	[sflag:s0] =	ssyncset.done $0x0  }
0x19: {  	[sflag:s0] =	ssyncadd.s32 $0xFFFFFC00  }
0x1a: {  	_ =	swait.ge [sflag:s0], $0x400  }
0x1b: {  	[sflag:s0] =	ssyncset.done $0x0  }
0x1c: {  	[sflag:s0] =	ssyncadd.s32 $0xFFFFFC00  }
0x1d: {  	_ =	swait.ge [sflag:s0], $0x400  }
0x1e: {  	[sflag:s0] =	ssyncset.done $0x0  }
0x1f: {  	[sflag:s0] =	ssyncadd.s32 $0xFFFFFC00  }
0x20: {  	_ =	swait.ge [sflag:s0], $0x400  }
0x21: {  	[sflag:s0] =	ssyncset.done $0x0  }
0x22: {  	[sflag:s0] =	ssyncadd.s32 $0xFFFFFC00  }
0x23: {  	_ =	swait.ge [sflag:s0], $0x400  }
0x24: {  	[sflag:s0] =	ssyncset.done $0x0  }
0x25: {  	[sflag:s0] =	ssyncadd.s32 $0xFFFFFC00  }
0x26: {  	_ =	swait.ge [sflag:s0], $0x400  }
0x27: {  	[sflag:s0] =	ssyncset.done $0x0  }
0x28: {  	[sflag:s0] =	ssyncadd.s32 $0xFFFFFC00  }
0x29: {  	_ =	swait.ge [sflag:s0], $0x400  }
0x2a: {  	[sflag:s0] =	ssyncset.done $0x0  }
0x2b: {  	[sflag:s0] =	ssyncadd.s32 $0xFFFFFC00  }
0x2c: {  	_ =	swait.ge [sflag:s0], $0x400  }
0x2d: {  	[sflag:s0] =	ssyncset.done $0x0  }
0x2e: {  	s1 =	simm.s32 $0x5;
	[sflag:s0] =	ssyncadd.s32 $0xFFFFFC00  }
0x2f: {  	_ =	swait.ge [sflag:s1], $0x400  }
0x30: {  	[sflag:s1] =	ssyncset.done $0x0  }
0x31: {  	[sflag:s1] =	ssyncadd.s32 $0xFFFFFC00  }
0x32: {  	_ =	swait.ge [sflag:s1], $0x400  }
0x33: {  	[sflag:s1] =	ssyncset.done $0x0  }
0x34: {  	[sflag:s1] =	ssyncadd.s32 $0xFFFFFC00  }
0x35: {  	_ =	swait.ge [sflag:s1], $0x400  }
0x36: {  	[sflag:s1] =	ssyncset.done $0x0  }
0x37: {  	[sflag:s1] =	ssyncadd.s32 $0xFFFFFC00  }
0x38: {  	_ =	swait.ge [sflag:s1], $0x400  }
0x39: {  	[sflag:s1] =	ssyncset.done $0x0  }
0x3a: {  	[sflag:s1] =	ssyncadd.s32 $0xFFFFFC00  }
0x3b: {  	_ =	swait.ge [sflag:s1], $0x400  }
0x3c: {  	[sflag:s1] =	ssyncset.done $0x0  }
0x3d: {  	[sflag:s1] =	ssyncadd.s32 $0xFFFFFC00  }
0x3e: {  	_ =	swait.ge [sflag:s1], $0x400  }
0x3f: {  	[sflag:s1] =	ssyncset.done $0x0  }
0x40: {  	[sflag:s1] =	ssyncadd.s32 $0xFFFFFC00  }
0x41: {  	_ =	swait.ge [sflag:s1], $0x400  }
0x42: {  	[sflag:s1] =	ssyncset.done $0x0  }
0x43: {  	[sflag:s1] =	ssyncadd.s32 $0xFFFFFC00  }
0x44: {  	_ =	swait.ge [sflag:s1], $0x400  }
0x45: {  	s8 =	rddreg [dreg:$0xa]  }
0x46: {  	s31 =	rddreg [dreg:$0x9];
	s8 =	sadd.s32 $0x1, s8  }
0x47: {  	p1 =	sne.s32 s8, s31  }
.Ltmp1:
0x48: {  	_ = 	snop;
	(pc) =	sbr.rel @!p1 .LBB2_9-.Ltmp1, $3  }
0x49: {  	_ =	sdelay $0x1  }
0x4a: {  	[sflag:s1] =	ssyncset.done $0x0  }
0x4b: {  	[sflag:s1] =	ssyncadd.s32 $0xFFFFFC00  }
.LBB2_1:
0x4c: {  	[dreg:$0xa] =	wrdreg s8  }
0x4d: {  	s0 =	rddreg [dreg:$0x5];
	s1 =	simm.s32 $0x3200  }
0x4e: {  	[tilespmem:s1], [sflag:$0x1] =	stream.linear.gather [hbm4b:s0+s3], $0x2000, $0x38;
	[tilespmem:$0xF600] =	vst v63  }
0x4f: {  	s8 =	rddreg [dreg:$0x4];
	s0 =	simm.s32 @p0 $0x0  }
0x50: {  	[tilespmem:s0], [sflag:$0x6] =	stream.linear.gather @p0 [hbm4b:s8+s0], $0x3200, $0x38;
	[tilespmem:$0xF600] =	vst v63  }
0x51: {  	s0 =	simm.s32 @p0 $0x6  }
0x52: {  	_ =	swait.ge @p0 [sflag:s0], $0x3200  }
0x53: {  	s1 =	simm.s32 @!p0 $0x5200;
	[sflag:s0] =	ssyncset.done @p0 $0x0  }
0x54: {  	s9 =	rddreg [dreg:$0x6];
	[sflag:s0] =	ssyncadd.s32 @p0 $0xFFFFCE00;
	s0 =	simm.s32 @!p0 $0x0  }
0x55: {  	[tilespmem:s1], [sflag:$0x1] =	stream.linear.gather @!p0 [hbm4b:s9+s0], $0x2000, $0x38;
	[tilespmem:$0xF600] =	vst v63  }
0x56: {  	_ = 	snop  }
0x57: {  	[tilespmem:s0], [sflag:$0x6] =	stream.linear.gather @!p0 [hbm4b:s8+s0], $0x3200, $0x38;
	[tilespmem:$0xF600] =	vst v63  }
0x58: {  	s0 =	simm.s32 @!p0 $0x6  }
0x59: {  	_ =	swait.ge @!p0 [sflag:s0], $0x3200  }
0x5a: {  	[sflag:s0] =	ssyncset.done @!p0 $0x0  }
0x5b: {  	[sflag:s0] =	ssyncadd.s32 @!p0 $0xFFFFCE00;
	s0 =	simm.s32 @!p0 $0x1  }
0x5c: {  	_ =	swait.ge @!p0 [sflag:s0], $0x2000  }
0x5d: {  	[sflag:s0] =	ssyncset.done @!p0 $0x0  }
0x5e: {  	s11 =	simm.s32 $0x1;
	[sflag:s0] =	ssyncadd.s32 @!p0 $0xFFFFE000  }
0x5f: {  	_ =	swait.ge [sflag:s11], $0x2000  }
0x60: {  	s20 =	simm.s32 $0x80;
	[sflag:s11] =	ssyncset.done $0x0  }
0x61: {  	s21 =	simm.s32 $0x7200;
	s19 =	rddreg [dreg:$0x7];
	[sflag:s11] =	ssyncadd.s32 $0xFFFFE000  }
0x62: {  	[tilespmem:s21], [sflag:$0x2] =	stream.indirect.gather [hbm4b:s5+s20], $0x40, s19, s20, $0xb8;
	[tilespmem:$0xF600] =	vst v63  }
0x63: {  	s31 =	simm.s32 $0x9200;
	s30 =	simm.s32 $0x0;
	s23 =	rddreg [dreg:$0x8]  }
0x64: {  	[tilespmem:s31], [sflag:$0x3] =	stream.indirect.gather [hbm4b:s5+s20], $0x40, s23, s20, $0xb8;
	[tilespmem:$0xF600] =	vst v63  }
.LBB2_2:
0x65: {  	_ =	swait.ge [sflag:s25], $0x2000  }
0x66: {  	p1 =	seq.s32 s30, $0x0;
	[sflag:s25] =	ssyncset.done $0x0  }
0x67: {  	s0 =	simm.s32 @!p1 $0x4;
	[sflag:s25] =	ssyncadd.s32 $0xFFFFE000  }
0x68: {  	_ =	swait.ge @!p1 [sflag:s0], $0x400  }
0x69: {  	[sflag:s0] =	ssyncset.done @!p1 $0x0  }
0x6a: {  	[sflag:s0] =	ssyncadd.s32 @!p1 $0xFFFFFC00  }
0x6b: {  	_ =	swait.ge @!p1 [sflag:s0], $0x400  }
0x6c: {  	[sflag:s0] =	ssyncset.done @!p1 $0x0  }
0x6d: {  	[sflag:s0] =	ssyncadd.s32 @!p1 $0xFFFFFC00  }
0x6e: {  	_ =	swait.ge @!p1 [sflag:s0], $0x400  }
0x6f: {  	[sflag:s0] =	ssyncset.done @!p1 $0x0  }
0x70: {  	[sflag:s0] =	ssyncadd.s32 @!p1 $0xFFFFFC00  }
0x71: {  	_ =	swait.ge @!p1 [sflag:s0], $0x400  }
0x72: {  	[sflag:s0] =	ssyncset.done @!p1 $0x0  }
0x73: {  	[sflag:s0] =	ssyncadd.s32 @!p1 $0xFFFFFC00  }
0x74: {  	_ =	swait.ge @!p1 [sflag:s0], $0x400  }
0x75: {  	[sflag:s0] =	ssyncset.done @!p1 $0x0  }
0x76: {  	[sflag:s0] =	ssyncadd.s32 @!p1 $0xFFFFFC00  }
0x77: {  	_ =	swait.ge @!p1 [sflag:s0], $0x400  }
0x78: {  	[sflag:s0] =	ssyncset.done @!p1 $0x0  }
0x79: {  	[sflag:s0] =	ssyncadd.s32 @!p1 $0xFFFFFC00  }
0x7a: {  	_ =	swait.ge @!p1 [sflag:s0], $0x400  }
0x7b: {  	[sflag:s0] =	ssyncset.done @!p1 $0x0  }
0x7c: {  	s31 =	sshll.u32 s30, $0x1;
	[sflag:s0] =	ssyncadd.s32 @!p1 $0xFFFFFC00  }
0x7d: {  	s1 =	sadd.s32 s4, s31;
	_ =	swait.ge @!p1 [sflag:s0], $0x400  }
0x7e: {  	s8 =	sshll.u32 s1, $0x3;
	[sflag:s0] =	ssyncset.done @!p1 $0x0  }
0x7f: {  	s10 =	sand.u32 $0x3FFFFFC0, s8;
	[sflag:s0] =	ssyncadd.s32 @!p1 $0xFFFFFC00  }
0x80: {  	s9 =	simm.s32 $0x7240;
	s11 =	simm.s32 $0x1;
	v9 =	vld [tilespmem:s10+$0x0]  }
0x81: {  	v4 =	vmov s11;
	v6 =	vld [tilespmem:s9+$0x0]  }
0x82: {  	v14 =	vand.u32 $0x7F, v4  }
0x83: {  	v8 =	vadd.s32 v0, v14  }
0x84: {  	s19 =	simm.s32 $0x0;
	v7 =	vld [tilespmem:s10+$0x10]  }
0x85: {  	v4 =	vmov s19;
	v10 =	vld [tilespmem:s9+$0xFFFFFFC0]  }
0x86: {  	v18 =	vand.u32 $0x7E, v4;
	v5 =	vld [tilespmem:s10+$0x20];
	v6 =	vadd.f32 v6, v9  }
0x87: {  	s20 =	simm.s32 $0x3;
	v11 =	vadd.s32 v0, v18;
	s0 =	simm.s32 $0x72C0;
	v4 =	vld [tilespmem:s10+$0x30]  }
0x88: {  	v12 =	vld [tilespmem:s0+$0x0];
	[tilespmem:v8+s26+$0x0] =	vst.idx.msk $0xffff, v6;
	v6 =	vmov s20  }
0x89: {  	v6 =	vand.u32 $0x7F, v6;
	v13 =	vld [tilespmem:s9+$0x10]  }
0x8a: {  	v8 =	vadd.f32 v10, v9;
	v10 =	vadd.s32 v0, v6  }
0x8b: {  	s21 =	simm.s32 $0x2;
	v15 =	vadd.s32 v1, v14  }
0x8c: {  	[tilespmem:v11+s26+$0x0] =	vst.idx.msk $0xffff, v8;
	v8 =	vmov s21;
	v11 =	vld [tilespmem:s0+$0xFFFFFFC0]  }
0x8d: {  	v12 =	vadd.f32 v12, v9;
	v8 =	vand.u32 $0x7E, v8;
	v16 =	vld [tilespmem:s9+$0xFFFFFFD0]  }
0x8e: {  	s23 =	simm.s32 $0x5;
	s20 =	simm.s32 $0x7340;
	v17 =	vadd.s32 v0, v8;
	v13 =	vadd.f32 v13, v7  }
0x8f: {  	v19 =	vld [tilespmem:s20+$0x0];
	[tilespmem:v10+s26+$0x0] =	vst.idx.msk $0xffff, v12;
	v12 =	vadd.s32 v1, v18;
	v10 =	vmov s23  }
0x90: {  	[tilespmem:v15+s26+$0x0] =	vst.idx.msk $0xffff, v13;
	v10 =	vand.u32 $0x7F, v10;
	v13 =	vld [tilespmem:s0+$0x10]  }
0x91: {  	v11 =	vadd.f32 v11, v9;
	v15 =	vadd.s32 v0, v10;
	v20 =	vld [tilespmem:s9+$0x20]  }
0x92: {  	s10 =	simm.s32 $0x4;
	v21 =	vadd.s32 v1, v6;
	v16 =	vadd.f32 v16, v7  }
0x93: {  	v22 =	vadd.s32 v2, v14;
	[tilespmem:v17+s26+$0x0] =	vst.idx.msk $0xffff, v11;
	v11 =	vmov s10;
	v17 =	vld [tilespmem:s20+$0xFFFFFFC0]  }
0x94: {  	v11 =	vand.u32 $0x7E, v11;
	[tilespmem:v12+s26+$0x0] =	vst.idx.msk $0xffff, v16;
	v12 =	vadd.f32 v19, v9;
	v16 =	vld [tilespmem:s0+$0xFFFFFFD0]  }
0x95: {  	s11 =	simm.s32 $0x7;
	s23 =	simm.s32 $0x73C0;
	v19 =	vadd.s32 v0, v11;
	v13 =	vadd.f32 v13, v7;
	v23 =	vld [tilespmem:s9+$0xFFFFFFE0]  }
0x96: {  	v24 =	vld [tilespmem:s23+$0x0];
	[tilespmem:v15+s26+$0x0] =	vst.idx.msk $0xffff, v12;
	v15 =	vadd.s32 v1, v8;
	v20 =	vadd.f32 v20, v5;
	v12 =	vmov s11  }
0x97: {  	[tilespmem:v21+s26+$0x0] =	vst.idx.msk $0xffff, v13;
	v21 =	vadd.s32 v2, v18;
	v12 =	vand.u32 $0x7F, v12;
	v25 =	vld [tilespmem:s20+$0x10]  }
0x98: {  	v13 =	vadd.f32 v17, v9;
	[tilespmem:v22+s26+$0x0] =	vst.idx.msk $0xffff, v20;
	v17 =	vadd.s32 v0, v12;
	v20 =	vld [tilespmem:s0+$0x20]  }
0x99: {  	s19 =	simm.s32 $0x6;
	v26 =	vadd.s32 v1, v10;
	v16 =	vadd.f32 v16, v7;
	v27 =	vld [tilespmem:s9+$0x30]  }
0x9a: {  	v28 =	vadd.s32 v2, v6;
	[tilespmem:v19+s26+$0x0] =	vst.idx.msk $0xffff, v13;
	v13 =	vmov s19;
	v19 =	vadd.f32 v23, v5;
	v23 =	vld [tilespmem:s23+$0xFFFFFFC0]  }
0x9b: {  	v30 =	vadd.s32 v3, v14;
	v13 =	vand.u32 $0x7E, v13;
	v29 =	vld [tilespmem:s20+$0xFFFFFFD0];
	[tilespmem:v15+s26+$0x0] =	vst.idx.msk $0xffff, v16;
	v16 =	vadd.f32 v24, v9  }
0x9c: {  	[tilespmem:v21+s26+$0x0] =	vst.idx.msk $0xffff, v19;
	v21 =	vadd.s32 v0, v13;
	v14 =	vadd.f32 v25, v7;
	v15 =	vld [tilespmem:s0+$0xFFFFFFE0]  }
0x9d: {  	s21 =	simm.s32 $0x9;
	s11 =	simm.s32 $0x7440;
	v19 =	vadd.s32 v1, v11;
	[tilespmem:v17+s26+$0x0] =	vst.idx.msk $0xffff, v16;
	v20 =	vadd.f32 v20, v5;
	v16 =	vld [tilespmem:s9+$0xFFFFFFF0]  }
0x9e: {  	v22 =	vld [tilespmem:s11+$0x0];
	v24 =	vmov s21;
	v17 =	vadd.s32 v2, v8;
	[tilespmem:v26+s26+$0x0] =	vst.idx.msk $0xffff, v14;
	v27 =	vadd.f32 v27, v4  }
0x9f: {  	s8 =	simm.s32 $0x8;
	v18 =	vadd.s32 v3, v18;
	v14 =	vand.u32 $0x7F, v24;
	v26 =	vadd.f32 v23, v9;
	v23 =	vld [tilespmem:s23+$0x10];
	[tilespmem:v28+s26+$0x0] =	vst.idx.msk $0xffff, v20  }
0xa0: {  	s10 =	simm.s32 $0x7440;
	s19 =	simm.s32 $0xA;
	s9 =	sshrl.u32 s1, $0x3;
	v24 =	vadd.s32 v0, v14;
	v25 =	vadd.f32 v29, v7;
	v20 =	vld [tilespmem:s20+$0x20];
	[tilespmem:v30+s26+$0x0] =	vst.idx.msk $0xffff, v27  }
.LBB2_3:
0xa1: {  	p2 =	slt.u32 s19, $0x7E;
	[tilespmem:v21+s26+$0x0] =	vst.idx.msk $0xffff, v26;
	v26 =	vadd.s32 v1, v12;
	v15 =	vadd.f32 v15, v5;
	v27 =	vld [tilespmem:s0+$0x30];
	v28 =	vmov v11  }
0xa2: {  	v21 =	vmov s8;
	v11 =	vmovc v13;
	s8 =	smov.u32 s19;
	v29 =	vld [tilespmem:s11+$0xFFFFFFC0];
	[tilespmem:v19+s26+$0x0] =	vst.idx.msk $0xffff, v25;
	v25 =	vadd.s32 v2, v10;
	v16 =	vadd.f32 v16, v4  }
0xa3: {  	v31 =	vadd.s32 v3, v6;
	v13 =	vand.u32 $0x7E, v21;
	v19 =	vadd.f32 v22, v9;
	v30 =	vld [tilespmem:s23+$0xFFFFFFD0];
	[tilespmem:v17+s26+$0x0] =	vst.idx.msk $0xffff, v15  }
.Ltmp2:
0xa4: {  	v6 =	vmov v10;
	v21 =	vadd.s32 v0, v13;
	v17 =	vadd.f32 v23, v7;
	v15 =	vld [tilespmem:s20+$0xFFFFFFE0];
	[tilespmem:v18+s26+$0x0] =	vst.idx.msk $0xffff, v16;
	(pc) =	sbr.rel @p2 .LBB2_3-.Ltmp2, $4  }
0xa5: {  	s21 =	sadd.s32 $0x1, s19;
	s11 =	sadd.s32 $0x80, s11;
	v10 =	vmov v12;
	[tilespmem:v24+s26+$0x0] =	vst.idx.msk $0xffff, v19;
	v19 =	vadd.s32 v1, v11;
	v18 =	vadd.f32 v20, v5;
	v16 =	vld [tilespmem:s0+$0xFFFFFFF0];
	s0 =	smov.u32 s20  }
0xa6: {  	v12 =	vmovc v14;
	v20 =	vmov s21;
	s20 =	smov.u32 s23;
	s23 =	smov.u32 s10;
	s10 =	smov.u32 s11;
	v22 =	vld [tilespmem:s11+$0x0];
	[tilespmem:v26+s26+$0x0] =	vst.idx.msk $0xffff, v17;
	v17 =	vadd.s32 v2, v28;
	v27 =	vadd.f32 v27, v4  }
0xa7: {  	v14 =	vand.u32 $0x7F, v20;
	v26 =	vadd.f32 v29, v9;
	v23 =	vld [tilespmem:s23+$0x10];
	[tilespmem:v25+s26+$0x0] =	vst.idx.msk $0xffff, v18;
	v18 =	vadd.s32 v3, v8  }
0xa8: {  	s19 =	sadd.s32 $0x2, s19;
	v24 =	vadd.s32 v0, v14;
	v8 =	vmov v28;
	v25 =	vadd.f32 v30, v7;
	v20 =	vld [tilespmem:s20+$0x20];
	[tilespmem:v31+s26+$0x0] =	vst.idx.msk $0xffff, v27  }
0xa9: {  	v27 =	vmov s8;
	v28 =	vld [tilespmem:s11+$0xFFFFFFC0]  }
0xaa: {  	v27 =	vand.u32 $0x7E, v27  }
0xab: {  	v29 =	vadd.s32 v0, v27;
	_ =	sdelay $0x1  }
0xac: {  	v22 =	vadd.f32 v22, v9  }
0xad: {  	[tilespmem:v21+s26+$0x0] =	vst.idx.msk $0xffff, v26;
	v9 =	vadd.f32 v28, v9  }
0xae: {  	v21 =	vld [tilespmem:s23+$0xFFFFFFD0];
	[tilespmem:v24+s26+$0x0] =	vst.idx.msk $0xffff, v22  }
0xaf: {  	v22 =	vadd.s32 v1, v12;
	v24 =	vld [tilespmem:s10+$0x10];
	[tilespmem:v29+s26+$0x0] =	vst.idx.msk $0xffff, v9  }
0xb0: {  	v9 =	vadd.s32 v1, v13;
	v26 =	vld [tilespmem:s10+$0xFFFFFFD0]  }
0xb1: {  	v60 =	vadd.s32 v1, v14  }
0xb2: {  	v61 =	vadd.s32 v1, v27;
	v23 =	vadd.f32 v23, v7  }
0xb3: {  	[tilespmem:v19+s26+$0x0] =	vst.idx.msk $0xffff, v25;
	v19 =	vadd.f32 v21, v7  }
0xb4: {  	v21 =	vld [tilespmem:s20+$0xFFFFFFE0];
	[tilespmem:v22+s26+$0x0] =	vst.idx.msk $0xffff, v23;
	v22 =	vadd.f32 v24, v7  }
0xb5: {  	v23 =	vadd.s32 v2, v10;
	v24 =	vld [tilespmem:s23+$0x20];
	[tilespmem:v9+s26+$0x0] =	vst.idx.msk $0xffff, v19;
	v7 =	vadd.f32 v26, v7  }
0xb6: {  	v9 =	vadd.f32 v15, v5;
	v15 =	vadd.s32 v2, v11;
	[tilespmem:v60+s26+$0x0] =	vst.idx.msk $0xffff, v22;
	v19 =	vld [tilespmem:s23+$0xFFFFFFE0]  }
0xb7: {  	v16 =	vadd.f32 v16, v4;
	v22 =	vadd.s32 v2, v12;
	v25 =	vld [tilespmem:s10+$0x20];
	[tilespmem:v61+s26+$0x0] =	vst.idx.msk $0xffff, v7  }
0xb8: {  	[tilespmem:v17+s26+$0x0] =	vst.idx.msk $0xffff, v9;
	v9 =	vadd.s32 v2, v13;
	v7 =	vadd.f32 v20, v5;
	v17 =	vld [tilespmem:s10+$0xFFFFFFE0]  }
0xb9: {  	[tilespmem:v18+s26+$0x0] =	vst.idx.msk $0xffff, v16;
	v18 =	vadd.s32 v2, v14;
	v16 =	vadd.f32 v21, v5;
	v20 =	vld [tilespmem:s0+$0x30]  }
0xba: {  	v21 =	vld [tilespmem:s0+$0xFFFFFFF0];
	[tilespmem:v23+s26+$0x0] =	vst.idx.msk $0xffff, v7;
	v7 =	vadd.f32 v24, v5;
	v23 =	vadd.s32 v2, v27  }
0xbb: {  	v6 =	vadd.s32 v3, v6;
	[tilespmem:v15+s26+$0x0] =	vst.idx.msk $0xffff, v16;
	v24 =	vld [tilespmem:s20+$0x30];
	v15 =	vadd.f32 v19, v5  }
0xbc: {  	v8 =	vadd.s32 v3, v8;
	v16 =	vld [tilespmem:s20+$0xFFFFFFF0];
	[tilespmem:v22+s26+$0x0] =	vst.idx.msk $0xffff, v7;
	v7 =	vadd.f32 v25, v5  }
0xbd: {  	v10 =	vadd.s32 v3, v10;
	v19 =	vld [tilespmem:s23+$0x30];
	[tilespmem:v9+s26+$0x0] =	vst.idx.msk $0xffff, v15;
	v5 =	vadd.f32 v17, v5  }
0xbe: {  	v11 =	vadd.s32 v3, v11;
	v9 =	vadd.f32 v20, v4;
	v15 =	vld [tilespmem:s23+$0xFFFFFFF0];
	[tilespmem:v18+s26+$0x0] =	vst.idx.msk $0xffff, v7  }
0xbf: {  	v12 =	vadd.s32 v3, v12;
	v7 =	vadd.f32 v21, v4;
	v17 =	vld [tilespmem:s10+$0x30];
	[tilespmem:v23+s26+$0x0] =	vst.idx.msk $0xffff, v5  }
0xc0: {  	[tilespmem:v6+s26+$0x0] =	vst.idx.msk $0xffff, v9;
	v6 =	vadd.s32 v3, v13;
	v5 =	vadd.f32 v24, v4;
	v9 =	vld [tilespmem:s10+$0xFFFFFFF0]  }
0xc1: {  	[tilespmem:v8+s26+$0x0] =	vst.idx.msk $0xffff, v7;
	v7 =	vadd.f32 v16, v4;
	v8 =	vadd.s32 v3, v14  }
0xc2: {  	[tilespmem:v10+s26+$0x0] =	vst.idx.msk $0xffff, v5;
	v5 =	vadd.f32 v19, v4;
	v10 =	vadd.s32 v3, v27  }
0xc3: {  	[tilespmem:v11+s26+$0x0] =	vst.idx.msk $0xffff, v7;
	v7 =	vadd.f32 v15, v4  }
0xc4: {  	s19 =	sshll.u32 s9, $0xD;
	s20 =	sshll.u32 s1, $0x7;
	[tilespmem:v12+s26+$0x0] =	vst.idx.msk $0xffff, v5;
	v5 =	vadd.f32 v17, v4  }
0xc5: {  	s0 =	sand.u32 $0x1FFFE000, s19;
	s8 =	sand.u32 $0x300, s20;
	[tilespmem:v6+s26+$0x0] =	vst.idx.msk $0xffff, v7;
	v4 =	vadd.f32 v9, v4  }
0xc6: {  	s0 =	sor.u32 s8, s0;
	[tilespmem:v8+s26+$0x0] =	vst.idx.msk $0xffff, v5  }
0xc7: {  	s8 =	sadd.s32 s2, s0;
	[tilespmem:v10+s26+$0x0] =	vst.idx.msk $0xffff, v4  }
0xc8: {  	[hbm4b:s8+s3] =	stream.linear.scatter [tilespmem:s26], [sflag:$0x4], $0x80, $0x38;
	[tilespmem:$0xF600] =	vst v63  }
0xc9: {  	s23 =	simm.s32 $0xB288;
	s21 =	sadd.s32 $0x10, s8  }
0xca: {  	[hbm4b:s21+s3] =	stream.linear.scatter [tilespmem:s23], [sflag:$0x4], $0x80, $0x38;
	[tilespmem:$0xF600] =	vst v63  }
0xcb: {  	s11 =	simm.s32 $0xB310;
	s10 =	sadd.s32 $0x20, s8  }
0xcc: {  	[hbm4b:s10+s3] =	stream.linear.scatter [tilespmem:s11], [sflag:$0x4], $0x80, $0x38;
	[tilespmem:$0xF600] =	vst v63  }
0xcd: {  	s20 =	simm.s32 $0xB398;
	s19 =	sadd.s32 $0x30, s8  }
0xce: {  	[hbm4b:s19+s3] =	stream.linear.scatter [tilespmem:s20], [sflag:$0x4], $0x80, $0x38;
	[tilespmem:$0xF600] =	vst v63  }
0xcf: {  	s21 =	sadd.s32 $0x40, s8;
	s23 =	simm.s32 $0xB420  }
0xd0: {  	[hbm4b:s21+s3] =	stream.linear.scatter [tilespmem:s23], [sflag:$0x4], $0x80, $0x38;
	[tilespmem:$0xF600] =	vst v63  }
0xd1: {  	s10 =	sadd.s32 $0x50, s8;
	s11 =	simm.s32 $0xB4A8  }
0xd2: {  	[hbm4b:s10+s3] =	stream.linear.scatter [tilespmem:s11], [sflag:$0x4], $0x80, $0x38;
	[tilespmem:$0xF600] =	vst v63  }
0xd3: {  	s19 =	sadd.s32 $0x60, s8;
	s20 =	simm.s32 $0xB530  }
0xd4: {  	[hbm4b:s19+s3] =	stream.linear.scatter [tilespmem:s20], [sflag:$0x4], $0x80, $0x38;
	[tilespmem:$0xF600] =	vst v63  }
0xd5: {  	s8 =	sadd.s32 $0x70, s8;
	s21 =	simm.s32 $0xB5B8  }
0xd6: {  	[hbm4b:s8+s3] =	stream.linear.scatter [tilespmem:s21], [sflag:$0x4], $0x80, $0x38;
	[tilespmem:$0xF600] =	vst v63  }
0xd7: {  	s23 =	simm.s32 $0xB640;
	s8 =	sadd.s32 s0, s12  }
0xd8: {  	[hbm4b:s8+s3] =	stream.linear.scatter [tilespmem:s23], [sflag:$0x4], $0x80, $0x38;
	[tilespmem:$0xF600] =	vst v63  }
0xd9: {  	s11 =	simm.s32 $0xB6C8;
	s10 =	sadd.s32 $0x10, s8  }
0xda: {  	[hbm4b:s10+s3] =	stream.linear.scatter [tilespmem:s11], [sflag:$0x4], $0x80, $0x38;
	[tilespmem:$0xF600] =	vst v63  }
0xdb: {  	s20 =	simm.s32 $0xB750;
	s19 =	sadd.s32 $0x20, s8  }
0xdc: {  	[hbm4b:s19+s3] =	stream.linear.scatter [tilespmem:s20], [sflag:$0x4], $0x80, $0x38;
	[tilespmem:$0xF600] =	vst v63  }
0xdd: {  	s21 =	sadd.s32 $0x30, s8;
	s23 =	simm.s32 $0xB7D8  }
0xde: {  	[hbm4b:s21+s3] =	stream.linear.scatter [tilespmem:s23], [sflag:$0x4], $0x80, $0x38;
	[tilespmem:$0xF600] =	vst v63  }
0xdf: {  	s10 =	sadd.s32 $0x40, s8;
	s11 =	simm.s32 $0xB860  }
0xe0: {  	[hbm4b:s10+s3] =	stream.linear.scatter [tilespmem:s11], [sflag:$0x4], $0x80, $0x38;
	[tilespmem:$0xF600] =	vst v63  }
0xe1: {  	s19 =	sadd.s32 $0x50, s8;
	s20 =	simm.s32 $0xB8E8  }
0xe2: {  	[hbm4b:s19+s3] =	stream.linear.scatter [tilespmem:s20], [sflag:$0x4], $0x80, $0x38;
	[tilespmem:$0xF600] =	vst v63  }
0xe3: {  	s21 =	sadd.s32 $0x60, s8;
	s23 =	simm.s32 $0xB970  }
0xe4: {  	[hbm4b:s21+s3] =	stream.linear.scatter [tilespmem:s23], [sflag:$0x4], $0x80, $0x38;
	[tilespmem:$0xF600] =	vst v63  }
0xe5: {  	s8 =	sadd.s32 $0x70, s8;
	s10 =	simm.s32 $0xB9F8  }
0xe6: {  	[hbm4b:s8+s3] =	stream.linear.scatter [tilespmem:s10], [sflag:$0x4], $0x80, $0x38;
	[tilespmem:$0xF600] =	vst v63  }
0xe7: {  	s11 =	simm.s32 $0xBA80;
	s8 =	sadd.s32 s0, s13  }
0xe8: {  	[hbm4b:s8+s3] =	stream.linear.scatter [tilespmem:s11], [sflag:$0x4], $0x80, $0x38;
	[tilespmem:$0xF600] =	vst v63  }
0xe9: {  	s20 =	simm.s32 $0xBB08;
	s19 =	sadd.s32 $0x10, s8  }
0xea: {  	[hbm4b:s19+s3] =	stream.linear.scatter [tilespmem:s20], [sflag:$0x4], $0x80, $0x38;
	[tilespmem:$0xF600] =	vst v63  }
0xeb: {  	s23 =	simm.s32 $0xBB90;
	s21 =	sadd.s32 $0x20, s8  }
0xec: {  	[hbm4b:s21+s3] =	stream.linear.scatter [tilespmem:s23], [sflag:$0x4], $0x80, $0x38;
	[tilespmem:$0xF600] =	vst v63  }
0xed: {  	s10 =	sadd.s32 $0x30, s8;
	s11 =	simm.s32 $0xBC18  }
0xee: {  	[hbm4b:s10+s3] =	stream.linear.scatter [tilespmem:s11], [sflag:$0x4], $0x80, $0x38;
	[tilespmem:$0xF600] =	vst v63  }
0xef: {  	s19 =	sadd.s32 $0x40, s8;
	s20 =	simm.s32 $0xBCA0  }
0xf0: {  	[hbm4b:s19+s3] =	stream.linear.scatter [tilespmem:s20], [sflag:$0x4], $0x80, $0x38;
	[tilespmem:$0xF600] =	vst v63  }
0xf1: {  	s21 =	sadd.s32 $0x50, s8;
	s23 =	simm.s32 $0xBD28  }
0xf2: {  	[hbm4b:s21+s3] =	stream.linear.scatter [tilespmem:s23], [sflag:$0x4], $0x80, $0x38;
	[tilespmem:$0xF600] =	vst v63  }
0xf3: {  	s10 =	sadd.s32 $0x60, s8;
	s11 =	simm.s32 $0xBDB0  }
0xf4: {  	[hbm4b:s10+s3] =	stream.linear.scatter [tilespmem:s11], [sflag:$0x4], $0x80, $0x38;
	[tilespmem:$0xF600] =	vst v63  }
0xf5: {  	s8 =	sadd.s32 $0x70, s8;
	s19 =	simm.s32 $0xBE38  }
0xf6: {  	[hbm4b:s8+s3] =	stream.linear.scatter [tilespmem:s19], [sflag:$0x4], $0x80, $0x38;
	[tilespmem:$0xF600] =	vst v63  }
0xf7: {  	s20 =	simm.s32 $0xBEC0;
	s8 =	sadd.s32 s0, s14  }
0xf8: {  	[hbm4b:s8+s3] =	stream.linear.scatter [tilespmem:s20], [sflag:$0x4], $0x80, $0x38;
	[tilespmem:$0xF600] =	vst v63  }
0xf9: {  	s23 =	simm.s32 $0xBF48;
	s21 =	sadd.s32 $0x10, s8  }
0xfa: {  	[hbm4b:s21+s3] =	stream.linear.scatter [tilespmem:s23], [sflag:$0x4], $0x80, $0x38;
	[tilespmem:$0xF600] =	vst v63  }
0xfb: {  	s11 =	simm.s32 $0xBFD0;
	s10 =	sadd.s32 $0x20, s8  }
0xfc: {  	[hbm4b:s10+s3] =	stream.linear.scatter [tilespmem:s11], [sflag:$0x4], $0x80, $0x38;
	[tilespmem:$0xF600] =	vst v63  }
0xfd: {  	s19 =	sadd.s32 $0x30, s8;
	s20 =	simm.s32 $0xC058  }
0xfe: {  	[hbm4b:s19+s3] =	stream.linear.scatter [tilespmem:s20], [sflag:$0x4], $0x80, $0x38;
	[tilespmem:$0xF600] =	vst v63  }
0xff: {  	s21 =	sadd.s32 $0x40, s8;
	s23 =	simm.s32 $0xC0E0  }
0x100: {  	[hbm4b:s21+s3] =	stream.linear.scatter [tilespmem:s23], [sflag:$0x4], $0x80, $0x38;
	[tilespmem:$0xF600] =	vst v63  }
0x101: {  	s10 =	sadd.s32 $0x50, s8;
	s11 =	simm.s32 $0xC168  }
0x102: {  	[hbm4b:s10+s3] =	stream.linear.scatter [tilespmem:s11], [sflag:$0x4], $0x80, $0x38;
	[tilespmem:$0xF600] =	vst v63  }
0x103: {  	s19 =	sadd.s32 $0x60, s8;
	s20 =	simm.s32 $0xC1F0  }
0x104: {  	[hbm4b:s19+s3] =	stream.linear.scatter [tilespmem:s20], [sflag:$0x4], $0x80, $0x38;
	[tilespmem:$0xF600] =	vst v63  }
0x105: {  	s8 =	sadd.s32 $0x70, s8;
	s21 =	simm.s32 $0xC278  }
0x106: {  	[hbm4b:s8+s3] =	stream.linear.scatter [tilespmem:s21], [sflag:$0x4], $0x80, $0x38;
	[tilespmem:$0xF600] =	vst v63  }
0x107: {  	s23 =	simm.s32 $0xC300;
	s8 =	sadd.s32 s0, s15  }
0x108: {  	[hbm4b:s8+s3] =	stream.linear.scatter [tilespmem:s23], [sflag:$0x4], $0x80, $0x38;
	[tilespmem:$0xF600] =	vst v63  }
0x109: {  	s11 =	simm.s32 $0xC388;
	s10 =	sadd.s32 $0x10, s8  }
0x10a: {  	[hbm4b:s10+s3] =	stream.linear.scatter [tilespmem:s11], [sflag:$0x4], $0x80, $0x38;
	[tilespmem:$0xF600] =	vst v63  }
0x10b: {  	s20 =	simm.s32 $0xC410;
	s19 =	sadd.s32 $0x20, s8  }
0x10c: {  	[hbm4b:s19+s3] =	stream.linear.scatter [tilespmem:s20], [sflag:$0x4], $0x80, $0x38;
	[tilespmem:$0xF600] =	vst v63  }
0x10d: {  	s21 =	sadd.s32 $0x30, s8;
	s23 =	simm.s32 $0xC498  }
0x10e: {  	[hbm4b:s21+s3] =	stream.linear.scatter [tilespmem:s23], [sflag:$0x4], $0x80, $0x38;
	[tilespmem:$0xF600] =	vst v63  }
0x10f: {  	s10 =	sadd.s32 $0x40, s8;
	s11 =	simm.s32 $0xC520  }
0x110: {  	[hbm4b:s10+s3] =	stream.linear.scatter [tilespmem:s11], [sflag:$0x4], $0x80, $0x38;
	[tilespmem:$0xF600] =	vst v63  }
0x111: {  	s19 =	sadd.s32 $0x50, s8;
	s20 =	simm.s32 $0xC5A8  }
0x112: {  	[hbm4b:s19+s3] =	stream.linear.scatter [tilespmem:s20], [sflag:$0x4], $0x80, $0x38;
	[tilespmem:$0xF600] =	vst v63  }
0x113: {  	s21 =	sadd.s32 $0x60, s8;
	s23 =	simm.s32 $0xC630  }
0x114: {  	[hbm4b:s21+s3] =	stream.linear.scatter [tilespmem:s23], [sflag:$0x4], $0x80, $0x38;
	[tilespmem:$0xF600] =	vst v63  }
0x115: {  	s8 =	sadd.s32 $0x70, s8;
	s10 =	simm.s32 $0xC6B8  }
0x116: {  	[hbm4b:s8+s3] =	stream.linear.scatter [tilespmem:s10], [sflag:$0x4], $0x80, $0x38;
	[tilespmem:$0xF600] =	vst v63  }
0x117: {  	s11 =	simm.s32 $0xC740;
	s8 =	sadd.s32 s0, s16  }
0x118: {  	[hbm4b:s8+s3] =	stream.linear.scatter [tilespmem:s11], [sflag:$0x4], $0x80, $0x38;
	[tilespmem:$0xF600] =	vst v63  }
0x119: {  	s20 =	simm.s32 $0xC7C8;
	s19 =	sadd.s32 $0x10, s8  }
0x11a: {  	[hbm4b:s19+s3] =	stream.linear.scatter [tilespmem:s20], [sflag:$0x4], $0x80, $0x38;
	[tilespmem:$0xF600] =	vst v63  }
0x11b: {  	s23 =	simm.s32 $0xC850;
	s21 =	sadd.s32 $0x20, s8  }
0x11c: {  	[hbm4b:s21+s3] =	stream.linear.scatter [tilespmem:s23], [sflag:$0x4], $0x80, $0x38;
	[tilespmem:$0xF600] =	vst v63  }
0x11d: {  	s10 =	sadd.s32 $0x30, s8;
	s11 =	simm.s32 $0xC8D8  }
0x11e: {  	[hbm4b:s10+s3] =	stream.linear.scatter [tilespmem:s11], [sflag:$0x4], $0x80, $0x38;
	[tilespmem:$0xF600] =	vst v63  }
0x11f: {  	s19 =	sadd.s32 $0x40, s8;
	s20 =	simm.s32 $0xC960  }
0x120: {  	[hbm4b:s19+s3] =	stream.linear.scatter [tilespmem:s20], [sflag:$0x4], $0x80, $0x38;
	[tilespmem:$0xF600] =	vst v63  }
0x121: {  	s21 =	sadd.s32 $0x50, s8;
	s23 =	simm.s32 $0xC9E8  }
0x122: {  	[hbm4b:s21+s3] =	stream.linear.scatter [tilespmem:s23], [sflag:$0x4], $0x80, $0x38;
	[tilespmem:$0xF600] =	vst v63  }
0x123: {  	s10 =	sadd.s32 $0x60, s8;
	s11 =	simm.s32 $0xCA70  }
0x124: {  	[hbm4b:s10+s3] =	stream.linear.scatter [tilespmem:s11], [sflag:$0x4], $0x80, $0x38;
	[tilespmem:$0xF600] =	vst v63  }
0x125: {  	s8 =	sadd.s32 $0x70, s8;
	s19 =	simm.s32 $0xCAF8  }
0x126: {  	[hbm4b:s8+s3] =	stream.linear.scatter [tilespmem:s19], [sflag:$0x4], $0x80, $0x38;
	[tilespmem:$0xF600] =	vst v63  }
0x127: {  	s20 =	simm.s32 $0xCB80;
	s8 =	sadd.s32 s0, s17  }
0x128: {  	[hbm4b:s8+s3] =	stream.linear.scatter [tilespmem:s20], [sflag:$0x4], $0x80, $0x38;
	[tilespmem:$0xF600] =	vst v63  }
0x129: {  	s23 =	simm.s32 $0xCC08;
	s21 =	sadd.s32 $0x10, s8  }
0x12a: {  	[hbm4b:s21+s3] =	stream.linear.scatter [tilespmem:s23], [sflag:$0x4], $0x80, $0x38;
	[tilespmem:$0xF600] =	vst v63  }
0x12b: {  	s11 =	simm.s32 $0xCC90;
	s10 =	sadd.s32 $0x20, s8  }
0x12c: {  	[hbm4b:s10+s3] =	stream.linear.scatter [tilespmem:s11], [sflag:$0x4], $0x80, $0x38;
	[tilespmem:$0xF600] =	vst v63  }
0x12d: {  	s19 =	sadd.s32 $0x30, s8;
	s20 =	simm.s32 $0xCD18  }
0x12e: {  	[hbm4b:s19+s3] =	stream.linear.scatter [tilespmem:s20], [sflag:$0x4], $0x80, $0x38;
	[tilespmem:$0xF600] =	vst v63  }
0x12f: {  	s21 =	sadd.s32 $0x40, s8;
	s23 =	simm.s32 $0xCDA0  }
0x130: {  	[hbm4b:s21+s3] =	stream.linear.scatter [tilespmem:s23], [sflag:$0x4], $0x80, $0x38;
	[tilespmem:$0xF600] =	vst v63  }
0x131: {  	s11 =	sadd.s32 $0x50, s8;
	s19 =	simm.s32 $0xCE28  }
0x132: {  	[hbm4b:s11+s3] =	stream.linear.scatter [tilespmem:s19], [sflag:$0x4], $0x80, $0x38;
	[tilespmem:$0xF600] =	vst v63  }
0x133: {  	s20 =	sadd.s32 $0x60, s8;
	s21 =	simm.s32 $0xCEB0  }
0x134: {  	[hbm4b:s20+s3] =	stream.linear.scatter [tilespmem:s21], [sflag:$0x4], $0x80, $0x38;
	[tilespmem:$0xF600] =	vst v63  }
0x135: {  	s8 =	sadd.s32 $0x70, s8;
	s23 =	simm.s32 $0xCF38  }
0x136: {  	[hbm4b:s8+s3] =	stream.linear.scatter [tilespmem:s23], [sflag:$0x4], $0x80, $0x38;
	[tilespmem:$0xF600] =	vst v63  }
0x137: {  	s9 =	simm.s32 $0xCFC0;
	s0 =	sadd.s32 s0, s18  }
0x138: {  	[hbm4b:s0+s3] =	stream.linear.scatter [tilespmem:s9], [sflag:$0x4], $0x80, $0x38;
	[tilespmem:$0xF600] =	vst v63  }
0x139: {  	s10 =	sadd.s32 $0x10, s0;
	s11 =	simm.s32 $0xD048  }
0x13a: {  	[hbm4b:s10+s3] =	stream.linear.scatter [tilespmem:s11], [sflag:$0x4], $0x80, $0x38;
	[tilespmem:$0xF600] =	vst v63  }
0x13b: {  	s19 =	sadd.s32 $0x20, s0;
	s20 =	simm.s32 $0xD0D0  }
0x13c: {  	[hbm4b:s19+s3] =	stream.linear.scatter [tilespmem:s20], [sflag:$0x4], $0x80, $0x38;
	[tilespmem:$0xF600] =	vst v63  }
0x13d: {  	s21 =	sadd.s32 $0x30, s0;
	s23 =	simm.s32 $0xD158  }
0x13e: {  	[hbm4b:s21+s3] =	stream.linear.scatter [tilespmem:s23], [sflag:$0x4], $0x80, $0x38;
	[tilespmem:$0xF600] =	vst v63  }
0x13f: {  	s10 =	sadd.s32 $0x40, s0;
	s11 =	simm.s32 $0xD1E0  }
0x140: {  	[hbm4b:s10+s3] =	stream.linear.scatter [tilespmem:s11], [sflag:$0x4], $0x80, $0x38;
	[tilespmem:$0xF600] =	vst v63  }
0x141: {  	s19 =	sadd.s32 $0x50, s0;
	s20 =	simm.s32 $0xD268  }
0x142: {  	[hbm4b:s19+s3] =	stream.linear.scatter [tilespmem:s20], [sflag:$0x4], $0x80, $0x38;
	[tilespmem:$0xF600] =	vst v63  }
0x143: {  	s21 =	sadd.s32 $0x60, s0;
	s23 =	simm.s32 $0xD2F0  }
0x144: {  	[hbm4b:s21+s3] =	stream.linear.scatter [tilespmem:s23], [sflag:$0x4], $0x80, $0x38;
	[tilespmem:$0xF600] =	vst v63  }
0x145: {  	p2 =	seq.s32 s30, $0x18;
	s0 =	sadd.s32 $0x70, s0;
	s10 =	simm.s32 $0xD378  }
0x146: {  	[hbm4b:s0+s3] =	stream.linear.scatter [tilespmem:s10], [sflag:$0x4], $0x80, $0x38;
	[tilespmem:$0xF600] =	vst v63  }
0x147: {  	s0 =	sadd.s32 @!p2 $0x2, s1  }
0x148: {  	s1 =	sshrl.u32 @!p2 s0, $0x3;
	s8 =	sshll.u32 @!p2 s0, $0x3  }
0x149: {  	s0 =	sand.u32 @!p2 $0x7FFFC0, s0;
	s1 =	sand.u32 @!p2 $0x7, s1;
	s8 =	sand.u32 @!p2 $0x30, s8  }
0x14a: {  	s0 =	sor.u32 @!p2 s8, s0;
	s1 =	ssub.s32 @!p2 s1, s6  }
0x14b: {  	s0 =	sadd.s32 @!p2 s0, s1  }
0x14c: {  	s0 =	sshll.u32 @!p2 s0, $0x9  }
0x14d: {  	s0 =	sshra.s32 @!p2 s0, $0x2  }
0x14e: {  	s8 =	simm.s32 @!p2 $0x7200;
	s1 =	simm.s32 @!p2 $0x80;
	s0 =	sadd.s32 @!p2 $0x3200, s0  }
0x14f: {  	[tilespmem:s8], [sflag:$0x2] =	stream.indirect.gather @!p2 [hbm4b:s5+s1], $0x40, s0, s1, $0xb8;
	[tilespmem:$0xF600] =	vst v63  }
0x150: {  	_ =	swait.ge [sflag:s22], $0x2000  }
0x151: {  	[sflag:s22] =	ssyncset.done $0x0  }
0x152: {  	s0 =	simm.s32 @!p1 $0x5;
	[sflag:s22] =	ssyncadd.s32 $0xFFFFE000  }
0x153: {  	_ =	swait.ge @!p1 [sflag:s0], $0x400  }
0x154: {  	[sflag:s0] =	ssyncset.done @!p1 $0x0  }
0x155: {  	[sflag:s0] =	ssyncadd.s32 @!p1 $0xFFFFFC00  }
0x156: {  	_ =	swait.ge @!p1 [sflag:s0], $0x400  }
0x157: {  	[sflag:s0] =	ssyncset.done @!p1 $0x0  }
0x158: {  	[sflag:s0] =	ssyncadd.s32 @!p1 $0xFFFFFC00  }
0x159: {  	_ =	swait.ge @!p1 [sflag:s0], $0x400  }
0x15a: {  	[sflag:s0] =	ssyncset.done @!p1 $0x0  }
0x15b: {  	[sflag:s0] =	ssyncadd.s32 @!p1 $0xFFFFFC00  }
0x15c: {  	_ =	swait.ge @!p1 [sflag:s0], $0x400  }
0x15d: {  	[sflag:s0] =	ssyncset.done @!p1 $0x0  }
0x15e: {  	[sflag:s0] =	ssyncadd.s32 @!p1 $0xFFFFFC00  }
0x15f: {  	_ =	swait.ge @!p1 [sflag:s0], $0x400  }
0x160: {  	[sflag:s0] =	ssyncset.done @!p1 $0x0  }
0x161: {  	[sflag:s0] =	ssyncadd.s32 @!p1 $0xFFFFFC00  }
0x162: {  	_ =	swait.ge @!p1 [sflag:s0], $0x400  }
0x163: {  	[sflag:s0] =	ssyncset.done @!p1 $0x0  }
0x164: {  	[sflag:s0] =	ssyncadd.s32 @!p1 $0xFFFFFC00  }
0x165: {  	_ =	swait.ge @!p1 [sflag:s0], $0x400  }
0x166: {  	[sflag:s0] =	ssyncset.done @!p1 $0x0  }
0x167: {  	s11 =	sadd.s32 s31, s4;
	[sflag:s0] =	ssyncadd.s32 @!p1 $0xFFFFFC00  }
0x168: {  	s31 =	sadd.s32 $0x1, s11;
	_ =	swait.ge @!p1 [sflag:s0], $0x400  }
0x169: {  	s1 =	sshll.u32 s31, $0x3;
	[sflag:s0] =	ssyncset.done @!p1 $0x0  }
0x16a: {  	s19 =	sand.u32 $0x3FFFFFC0, s1;
	[sflag:s0] =	ssyncadd.s32 @!p1 $0xFFFFFC00  }
0x16b: {  	s9 =	simm.s32 $0x9240;
	s20 =	simm.s32 $0x1;
	v9 =	vld [tilespmem:s19+$0x0]  }
0x16c: {  	v4 =	vmov s20;
	v6 =	vld [tilespmem:s9+$0x0]  }
0x16d: {  	v14 =	vand.u32 $0x7F, v4  }
0x16e: {  	v8 =	vadd.s32 v0, v14  }
0x16f: {  	s21 =	simm.s32 $0x0;
	v7 =	vld [tilespmem:s19+$0x10]  }
0x170: {  	v4 =	vmov s21;
	v10 =	vld [tilespmem:s9+$0xFFFFFFC0]  }
0x171: {  	v18 =	vand.u32 $0x7E, v4;
	v5 =	vld [tilespmem:s19+$0x20];
	v6 =	vadd.f32 v6, v9  }
0x172: {  	s23 =	simm.s32 $0x3;
	v11 =	vadd.s32 v0, v18;
	s0 =	simm.s32 $0x92C0;
	v4 =	vld [tilespmem:s19+$0x30]  }
0x173: {  	v12 =	vld [tilespmem:s0+$0x0];
	[tilespmem:v8+s7+$0x0] =	vst.idx.msk $0xffff, v6;
	v6 =	vmov s23  }
0x174: {  	v6 =	vand.u32 $0x7F, v6;
	v13 =	vld [tilespmem:s9+$0x10]  }
0x175: {  	v8 =	vadd.f32 v10, v9;
	v10 =	vadd.s32 v0, v6  }
0x176: {  	v15 =	vadd.s32 v1, v14;
	s8 =	simm.s32 $0x2  }
0x177: {  	[tilespmem:v11+s7+$0x0] =	vst.idx.msk $0xffff, v8;
	v8 =	vmov s8;
	v11 =	vld [tilespmem:s0+$0xFFFFFFC0]  }
0x178: {  	v12 =	vadd.f32 v12, v9;
	v8 =	vand.u32 $0x7E, v8;
	v16 =	vld [tilespmem:s9+$0xFFFFFFD0]  }
0x179: {  	s10 =	simm.s32 $0x5;
	s1 =	simm.s32 $0x9340;
	v17 =	vadd.s32 v0, v8;
	v13 =	vadd.f32 v13, v7  }
0x17a: {  	v19 =	vld [tilespmem:s1+$0x0];
	[tilespmem:v10+s7+$0x0] =	vst.idx.msk $0xffff, v12;
	v12 =	vadd.s32 v1, v18;
	v10 =	vmov s10  }
0x17b: {  	[tilespmem:v15+s7+$0x0] =	vst.idx.msk $0xffff, v13;
	v10 =	vand.u32 $0x7F, v10;
	v13 =	vld [tilespmem:s0+$0x10]  }
0x17c: {  	v11 =	vadd.f32 v11, v9;
	v15 =	vadd.s32 v0, v10;
	v20 =	vld [tilespmem:s9+$0x20]  }
0x17d: {  	s11 =	simm.s32 $0x4;
	v21 =	vadd.s32 v1, v6;
	v16 =	vadd.f32 v16, v7  }
0x17e: {  	v22 =	vadd.s32 v2, v14;
	[tilespmem:v17+s7+$0x0] =	vst.idx.msk $0xffff, v11;
	v11 =	vmov s11;
	v17 =	vld [tilespmem:s1+$0xFFFFFFC0]  }
0x17f: {  	v11 =	vand.u32 $0x7E, v11;
	[tilespmem:v12+s7+$0x0] =	vst.idx.msk $0xffff, v16;
	v12 =	vadd.f32 v19, v9;
	v16 =	vld [tilespmem:s0+$0xFFFFFFD0]  }
0x180: {  	s20 =	simm.s32 $0x93C0;
	s19 =	simm.s32 $0x7;
	v19 =	vadd.s32 v0, v11;
	v13 =	vadd.f32 v13, v7;
	v23 =	vld [tilespmem:s9+$0xFFFFFFE0]  }
0x181: {  	v24 =	vld [tilespmem:s20+$0x0];
	[tilespmem:v15+s7+$0x0] =	vst.idx.msk $0xffff, v12;
	v15 =	vadd.s32 v1, v8;
	v20 =	vadd.f32 v20, v5;
	v12 =	vmov s19  }
0x182: {  	[tilespmem:v21+s7+$0x0] =	vst.idx.msk $0xffff, v13;
	v21 =	vadd.s32 v2, v18;
	v12 =	vand.u32 $0x7F, v12;
	v25 =	vld [tilespmem:s1+$0x10]  }
0x183: {  	v13 =	vadd.f32 v17, v9;
	[tilespmem:v22+s7+$0x0] =	vst.idx.msk $0xffff, v20;
	v17 =	vadd.s32 v0, v12;
	v20 =	vld [tilespmem:s0+$0x20]  }
0x184: {  	s21 =	simm.s32 $0x6;
	v26 =	vadd.s32 v1, v10;
	v16 =	vadd.f32 v16, v7;
	v27 =	vld [tilespmem:s9+$0x30]  }
0x185: {  	v62 =	vadd.s32 v2, v6;
	[tilespmem:v19+s7+$0x0] =	vst.idx.msk $0xffff, v13;
	v13 =	vmov s21;
	v19 =	vadd.f32 v23, v5;
	v23 =	vld [tilespmem:s20+$0xFFFFFFC0]  }
0x186: {  	v30 =	vadd.s32 v3, v14;
	v13 =	vand.u32 $0x7E, v13;
	v63 =	vld [tilespmem:s1+$0xFFFFFFD0];
	[tilespmem:v15+s7+$0x0] =	vst.idx.msk $0xffff, v16;
	v16 =	vadd.f32 v24, v9  }
0x187: {  	[tilespmem:v21+s7+$0x0] =	vst.idx.msk $0xffff, v19;
	v21 =	vadd.s32 v0, v13;
	v14 =	vadd.f32 v25, v7;
	v15 =	vld [tilespmem:s0+$0xFFFFFFE0]  }
0x188: {  	s23 =	simm.s32 $0x9;
	s11 =	simm.s32 $0x9440;
	v19 =	vadd.s32 v1, v11;
	[tilespmem:v17+s7+$0x0] =	vst.idx.msk $0xffff, v16;
	v20 =	vadd.f32 v20, v5;
	v16 =	vld [tilespmem:s9+$0xFFFFFFF0]  }
0x189: {  	v22 =	vld [tilespmem:s11+$0x0];
	v24 =	vmov s23;
	v17 =	vadd.s32 v2, v8;
	[tilespmem:v26+s7+$0x0] =	vst.idx.msk $0xffff, v14;
	v27 =	vadd.f32 v27, v4  }
0x18a: {  	s8 =	simm.s32 $0x8;
	v18 =	vadd.s32 v3, v18;
	v14 =	vand.u32 $0x7F, v24;
	v26 =	vadd.f32 v23, v9;
	v23 =	vld [tilespmem:s20+$0x10];
	[tilespmem:v62+s7+$0x0] =	vst.idx.msk $0xffff, v20  }
0x18b: {  	s10 =	simm.s32 $0x9440;
	s19 =	simm.s32 $0xA;
	s9 =	sshrl.u32 s31, $0x3;
	v24 =	vadd.s32 v0, v14;
	v25 =	vadd.f32 v63, v7;
	v20 =	vld [tilespmem:s1+$0x20];
	[tilespmem:v30+s7+$0x0] =	vst.idx.msk $0xffff, v27  }
.LBB2_5:
0x18c: {  	p1 =	slt.u32 s19, $0x7E;
	[tilespmem:v21+s7+$0x0] =	vst.idx.msk $0xffff, v26;
	v26 =	vadd.s32 v1, v12;
	v15 =	vadd.f32 v15, v5;
	v27 =	vld [tilespmem:s0+$0x30];
	v28 =	vmov v11  }
0x18d: {  	v21 =	vmov s8;
	v11 =	vmovc v13;
	s8 =	smov.u32 s19;
	v29 =	vld [tilespmem:s11+$0xFFFFFFC0];
	[tilespmem:v19+s7+$0x0] =	vst.idx.msk $0xffff, v25;
	v25 =	vadd.s32 v2, v10;
	v16 =	vadd.f32 v16, v4  }
0x18e: {  	v31 =	vadd.s32 v3, v6;
	v13 =	vand.u32 $0x7E, v21;
	v19 =	vadd.f32 v22, v9;
	v30 =	vld [tilespmem:s20+$0xFFFFFFD0];
	[tilespmem:v17+s7+$0x0] =	vst.idx.msk $0xffff, v15  }
.Ltmp3:
0x18f: {  	v6 =	vmov v10;
	v21 =	vadd.s32 v0, v13;
	v17 =	vadd.f32 v23, v7;
	v15 =	vld [tilespmem:s1+$0xFFFFFFE0];
	[tilespmem:v18+s7+$0x0] =	vst.idx.msk $0xffff, v16;
	(pc) =	sbr.rel @p1 .LBB2_5-.Ltmp3, $4  }
0x190: {  	s21 =	sadd.s32 $0x1, s19;
	s11 =	sadd.s32 $0x80, s11;
	v10 =	vmov v12;
	[tilespmem:v24+s7+$0x0] =	vst.idx.msk $0xffff, v19;
	v19 =	vadd.s32 v1, v11;
	v18 =	vadd.f32 v20, v5;
	v16 =	vld [tilespmem:s0+$0xFFFFFFF0];
	s0 =	smov.u32 s1  }
0x191: {  	v12 =	vmovc v14;
	v20 =	vmov s21;
	s1 =	smov.u32 s20;
	s20 =	smov.u32 s10;
	s10 =	smov.u32 s11;
	v22 =	vld [tilespmem:s11+$0x0];
	[tilespmem:v26+s7+$0x0] =	vst.idx.msk $0xffff, v17;
	v17 =	vadd.s32 v2, v28;
	v27 =	vadd.f32 v27, v4  }
0x192: {  	v14 =	vand.u32 $0x7F, v20;
	v26 =	vadd.f32 v29, v9;
	v23 =	vld [tilespmem:s20+$0x10];
	[tilespmem:v25+s7+$0x0] =	vst.idx.msk $0xffff, v18;
	v18 =	vadd.s32 v3, v8  }
0x193: {  	s19 =	sadd.s32 $0x2, s19;
	v24 =	vadd.s32 v0, v14;
	v8 =	vmov v28;
	v25 =	vadd.f32 v30, v7;
	v20 =	vld [tilespmem:s1+$0x20];
	[tilespmem:v31+s7+$0x0] =	vst.idx.msk $0xffff, v27  }
0x194: {  	v27 =	vmov s8;
	v28 =	vld [tilespmem:s11+$0xFFFFFFC0]  }
0x195: {  	v27 =	vand.u32 $0x7E, v27  }
0x196: {  	v29 =	vadd.s32 v0, v27;
	_ =	sdelay $0x1  }
0x197: {  	v22 =	vadd.f32 v22, v9  }
0x198: {  	[tilespmem:v21+s7+$0x0] =	vst.idx.msk $0xffff, v26;
	v57 =	vadd.f32 v28, v9  }
0x199: {  	v21 =	vld [tilespmem:s20+$0xFFFFFFD0];
	[tilespmem:v24+s7+$0x0] =	vst.idx.msk $0xffff, v22  }
0x19a: {  	v58 =	vadd.s32 v1, v12;
	v24 =	vld [tilespmem:s10+$0x10];
	[tilespmem:v29+s7+$0x0] =	vst.idx.msk $0xffff, v57  }
0x19b: {  	v59 =	vadd.s32 v1, v13;
	v60 =	vld [tilespmem:s10+$0xFFFFFFD0]  }
0x19c: {  	v61 =	vadd.s32 v1, v14  }
0x19d: {  	v62 =	vadd.s32 v1, v27;
	v23 =	vadd.f32 v23, v7  }
0x19e: {  	[tilespmem:v19+s7+$0x0] =	vst.idx.msk $0xffff, v25;
	v63 =	vadd.f32 v21, v7  }
0x19f: {  	v30 =	vld [tilespmem:s1+$0xFFFFFFE0];
	[tilespmem:v58+s7+$0x0] =	vst.idx.msk $0xffff, v23;
	v31 =	vadd.f32 v24, v7  }
0x1a0: {  	v32 =	vadd.s32 v2, v10;
	v33 =	vld [tilespmem:s20+$0x20];
	[tilespmem:v59+s7+$0x0] =	vst.idx.msk $0xffff, v63;
	v34 =	vadd.f32 v60, v7  }
0x1a1: {  	v35 =	vadd.f32 v15, v5;
	v36 =	vadd.s32 v2, v11;
	v19 =	vld [tilespmem:s20+$0xFFFFFFE0];
	[tilespmem:v61+s7+$0x0] =	vst.idx.msk $0xffff, v31  }
0x1a2: {  	v37 =	vadd.s32 v2, v12;
	v16 =	vadd.f32 v16, v4;
	v38 =	vld [tilespmem:s10+$0x20];
	[tilespmem:v62+s7+$0x0] =	vst.idx.msk $0xffff, v34  }
0x1a3: {  	v40 =	vadd.s32 v2, v13;
	[tilespmem:v17+s7+$0x0] =	vst.idx.msk $0xffff, v35;
	v39 =	vadd.f32 v20, v5;
	v41 =	vld [tilespmem:s10+$0xFFFFFFE0]  }
0x1a4: {  	v42 =	vld [tilespmem:s0+$0x30];
	v44 =	vadd.s32 v2, v14;
	[tilespmem:v18+s7+$0x0] =	vst.idx.msk $0xffff, v16;
	v43 =	vadd.f32 v30, v5  }
0x1a5: {  	v47 =	vadd.s32 v2, v27;
	v45 =	vld [tilespmem:s0+$0xFFFFFFF0];
	[tilespmem:v32+s7+$0x0] =	vst.idx.msk $0xffff, v39;
	v46 =	vadd.f32 v33, v5  }
0x1a6: {  	v6 =	vadd.s32 v3, v6;
	v48 =	vld [tilespmem:s1+$0x30];
	[tilespmem:v36+s7+$0x0] =	vst.idx.msk $0xffff, v43;
	v49 =	vadd.f32 v19, v5  }
0x1a7: {  	v8 =	vadd.s32 v3, v8;
	v16 =	vld [tilespmem:s1+$0xFFFFFFF0];
	[tilespmem:v37+s7+$0x0] =	vst.idx.msk $0xffff, v46;
	v50 =	vadd.f32 v38, v5  }
0x1a8: {  	v51 =	vadd.s32 v3, v10;
	v52 =	vld [tilespmem:s20+$0x30];
	[tilespmem:v40+s7+$0x0] =	vst.idx.msk $0xffff, v49;
	v5 =	vadd.f32 v41, v5  }
0x1a9: {  	v54 =	vadd.s32 v3, v11;
	v53 =	vadd.f32 v42, v4;
	v15 =	vld [tilespmem:s20+$0xFFFFFFF0];
	[tilespmem:v44+s7+$0x0] =	vst.idx.msk $0xffff, v50  }
0x1aa: {  	v56 =	vadd.s32 v3, v12;
	v55 =	vadd.f32 v45, v4;
	v57 =	vld [tilespmem:s10+$0x30];
	[tilespmem:v47+s7+$0x0] =	vst.idx.msk $0xffff, v5  }
0x1ab: {  	v58 =	vadd.s32 v3, v13;
	[tilespmem:v6+s7+$0x0] =	vst.idx.msk $0xffff, v53;
	v5 =	vadd.f32 v48, v4;
	v59 =	vld [tilespmem:s10+$0xFFFFFFF0]  }
0x1ac: {  	[tilespmem:v8+s7+$0x0] =	vst.idx.msk $0xffff, v55;
	v61 =	vadd.s32 v3, v14;
	v60 =	vadd.f32 v16, v4  }
0x1ad: {  	v62 =	vadd.s32 v3, v27;
	[tilespmem:v51+s7+$0x0] =	vst.idx.msk $0xffff, v5;
	v5 =	vadd.f32 v52, v4  }
0x1ae: {  	[tilespmem:v54+s7+$0x0] =	vst.idx.msk $0xffff, v60;
	v63 =	vadd.f32 v15, v4  }
0x1af: {  	s8 =	sshll.u32 s9, $0xD;
	s9 =	sshll.u32 s31, $0x7;
	[tilespmem:v56+s7+$0x0] =	vst.idx.msk $0xffff, v5;
	v5 =	vadd.f32 v57, v4  }
0x1b0: {  	s0 =	sand.u32 $0x1FFFE000, s8;
	s1 =	sand.u32 $0x380, s9;
	[tilespmem:v58+s7+$0x0] =	vst.idx.msk $0xffff, v63;
	v4 =	vadd.f32 v59, v4  }
0x1b1: {  	s0 =	sor.u32 s1, s0;
	[tilespmem:v61+s7+$0x0] =	vst.idx.msk $0xffff, v5  }
0x1b2: {  	s1 =	sadd.s32 s2, s0;
	[tilespmem:v62+s7+$0x0] =	vst.idx.msk $0xffff, v4  }
0x1b3: {  	[hbm4b:s1+s3] =	stream.linear.scatter [tilespmem:s7], [sflag:$0x5], $0x80, $0x38;
	[tilespmem:$0xF600] =	vst v63  }
0x1b4: {  	s11 =	simm.s32 $0xD488;
	s10 =	sadd.s32 $0x10, s1  }
0x1b5: {  	[hbm4b:s10+s3] =	stream.linear.scatter [tilespmem:s11], [sflag:$0x5], $0x80, $0x38;
	[tilespmem:$0xF600] =	vst v63  }
0x1b6: {  	s19 =	sadd.s32 $0x20, s1;
	s20 =	simm.s32 $0xD510  }
0x1b7: {  	[hbm4b:s19+s3] =	stream.linear.scatter [tilespmem:s20], [sflag:$0x5], $0x80, $0x38;
	[tilespmem:$0xF600] =	vst v63  }
0x1b8: {  	s23 =	simm.s32 $0xD598;
	s21 =	sadd.s32 $0x30, s1  }
0x1b9: {  	[hbm4b:s21+s3] =	stream.linear.scatter [tilespmem:s23], [sflag:$0x5], $0x80, $0x38;
	[tilespmem:$0xF600] =	vst v63  }
0x1ba: {  	s9 =	sadd.s32 $0x40, s1;
	s10 =	simm.s32 $0xD620  }
0x1bb: {  	[hbm4b:s9+s3] =	stream.linear.scatter [tilespmem:s10], [sflag:$0x5], $0x80, $0x38;
	[tilespmem:$0xF600] =	vst v63  }
0x1bc: {  	s11 =	sadd.s32 $0x50, s1;
	s19 =	simm.s32 $0xD6A8  }
0x1bd: {  	[hbm4b:s11+s3] =	stream.linear.scatter [tilespmem:s19], [sflag:$0x5], $0x80, $0x38;
	[tilespmem:$0xF600] =	vst v63  }
0x1be: {  	s20 =	sadd.s32 $0x60, s1;
	s21 =	simm.s32 $0xD730  }
0x1bf: {  	[hbm4b:s20+s3] =	stream.linear.scatter [tilespmem:s21], [sflag:$0x5], $0x80, $0x38;
	[tilespmem:$0xF600] =	vst v63  }
0x1c0: {  	s1 =	sadd.s32 $0x70, s1;
	s23 =	simm.s32 $0xD7B8  }
0x1c1: {  	[hbm4b:s1+s3] =	stream.linear.scatter [tilespmem:s23], [sflag:$0x5], $0x80, $0x38;
	[tilespmem:$0xF600] =	vst v63  }
0x1c2: {  	s9 =	simm.s32 $0xD840;
	s1 =	sadd.s32 s0, s12  }
0x1c3: {  	[hbm4b:s1+s3] =	stream.linear.scatter [tilespmem:s9], [sflag:$0x5], $0x80, $0x38;
	[tilespmem:$0xF600] =	vst v63  }
0x1c4: {  	s11 =	simm.s32 $0xD8C8;
	s10 =	sadd.s32 $0x10, s1  }
0x1c5: {  	[hbm4b:s10+s3] =	stream.linear.scatter [tilespmem:s11], [sflag:$0x5], $0x80, $0x38;
	[tilespmem:$0xF600] =	vst v63  }
0x1c6: {  	s20 =	simm.s32 $0xD950;
	s19 =	sadd.s32 $0x20, s1  }
0x1c7: {  	[hbm4b:s19+s3] =	stream.linear.scatter [tilespmem:s20], [sflag:$0x5], $0x80, $0x38;
	[tilespmem:$0xF600] =	vst v63  }
0x1c8: {  	s23 =	simm.s32 $0xD9D8;
	s21 =	sadd.s32 $0x30, s1  }
0x1c9: {  	[hbm4b:s21+s3] =	stream.linear.scatter [tilespmem:s23], [sflag:$0x5], $0x80, $0x38;
	[tilespmem:$0xF600] =	vst v63  }
0x1ca: {  	s9 =	sadd.s32 $0x40, s1;
	s10 =	simm.s32 $0xDA60  }
0x1cb: {  	[hbm4b:s9+s3] =	stream.linear.scatter [tilespmem:s10], [sflag:$0x5], $0x80, $0x38;
	[tilespmem:$0xF600] =	vst v63  }
0x1cc: {  	s11 =	sadd.s32 $0x50, s1;
	s19 =	simm.s32 $0xDAE8  }
0x1cd: {  	[hbm4b:s11+s3] =	stream.linear.scatter [tilespmem:s19], [sflag:$0x5], $0x80, $0x38;
	[tilespmem:$0xF600] =	vst v63  }
0x1ce: {  	s20 =	sadd.s32 $0x60, s1;
	s21 =	simm.s32 $0xDB70  }
0x1cf: {  	[hbm4b:s20+s3] =	stream.linear.scatter [tilespmem:s21], [sflag:$0x5], $0x80, $0x38;
	[tilespmem:$0xF600] =	vst v63  }
0x1d0: {  	s1 =	sadd.s32 $0x70, s1;
	s23 =	simm.s32 $0xDBF8  }
0x1d1: {  	[hbm4b:s1+s3] =	stream.linear.scatter [tilespmem:s23], [sflag:$0x5], $0x80, $0x38;
	[tilespmem:$0xF600] =	vst v63  }
0x1d2: {  	s9 =	simm.s32 $0xDC80;
	s1 =	sadd.s32 s0, s13  }
0x1d3: {  	[hbm4b:s1+s3] =	stream.linear.scatter [tilespmem:s9], [sflag:$0x5], $0x80, $0x38;
	[tilespmem:$0xF600] =	vst v63  }
0x1d4: {  	s11 =	simm.s32 $0xDD08;
	s10 =	sadd.s32 $0x10, s1  }
0x1d5: {  	[hbm4b:s10+s3] =	stream.linear.scatter [tilespmem:s11], [sflag:$0x5], $0x80, $0x38;
	[tilespmem:$0xF600] =	vst v63  }
0x1d6: {  	s20 =	simm.s32 $0xDD90;
	s19 =	sadd.s32 $0x20, s1  }
0x1d7: {  	[hbm4b:s19+s3] =	stream.linear.scatter [tilespmem:s20], [sflag:$0x5], $0x80, $0x38;
	[tilespmem:$0xF600] =	vst v63  }
0x1d8: {  	s23 =	simm.s32 $0xDE18;
	s21 =	sadd.s32 $0x30, s1  }
0x1d9: {  	[hbm4b:s21+s3] =	stream.linear.scatter [tilespmem:s23], [sflag:$0x5], $0x80, $0x38;
	[tilespmem:$0xF600] =	vst v63  }
0x1da: {  	s9 =	sadd.s32 $0x40, s1;
	s10 =	simm.s32 $0xDEA0  }
0x1db: {  	[hbm4b:s9+s3] =	stream.linear.scatter [tilespmem:s10], [sflag:$0x5], $0x80, $0x38;
	[tilespmem:$0xF600] =	vst v63  }
0x1dc: {  	s11 =	sadd.s32 $0x50, s1;
	s19 =	simm.s32 $0xDF28  }
0x1dd: {  	[hbm4b:s11+s3] =	stream.linear.scatter [tilespmem:s19], [sflag:$0x5], $0x80, $0x38;
	[tilespmem:$0xF600] =	vst v63  }
0x1de: {  	s20 =	sadd.s32 $0x60, s1;
	s21 =	simm.s32 $0xDFB0  }
0x1df: {  	[hbm4b:s20+s3] =	stream.linear.scatter [tilespmem:s21], [sflag:$0x5], $0x80, $0x38;
	[tilespmem:$0xF600] =	vst v63  }
0x1e0: {  	s1 =	sadd.s32 $0x70, s1;
	s23 =	simm.s32 $0xE038  }
0x1e1: {  	[hbm4b:s1+s3] =	stream.linear.scatter [tilespmem:s23], [sflag:$0x5], $0x80, $0x38;
	[tilespmem:$0xF600] =	vst v63  }
0x1e2: {  	s9 =	simm.s32 $0xE0C0;
	s1 =	sadd.s32 s0, s14  }
0x1e3: {  	[hbm4b:s1+s3] =	stream.linear.scatter [tilespmem:s9], [sflag:$0x5], $0x80, $0x38;
	[tilespmem:$0xF600] =	vst v63  }
0x1e4: {  	s11 =	simm.s32 $0xE148;
	s10 =	sadd.s32 $0x10, s1  }
0x1e5: {  	[hbm4b:s10+s3] =	stream.linear.scatter [tilespmem:s11], [sflag:$0x5], $0x80, $0x38;
	[tilespmem:$0xF600] =	vst v63  }
0x1e6: {  	s20 =	simm.s32 $0xE1D0;
	s19 =	sadd.s32 $0x20, s1  }
0x1e7: {  	[hbm4b:s19+s3] =	stream.linear.scatter [tilespmem:s20], [sflag:$0x5], $0x80, $0x38;
	[tilespmem:$0xF600] =	vst v63  }
0x1e8: {  	s23 =	simm.s32 $0xE258;
	s21 =	sadd.s32 $0x30, s1  }
0x1e9: {  	[hbm4b:s21+s3] =	stream.linear.scatter [tilespmem:s23], [sflag:$0x5], $0x80, $0x38;
	[tilespmem:$0xF600] =	vst v63  }
0x1ea: {  	s9 =	sadd.s32 $0x40, s1;
	s10 =	simm.s32 $0xE2E0  }
0x1eb: {  	[hbm4b:s9+s3] =	stream.linear.scatter [tilespmem:s10], [sflag:$0x5], $0x80, $0x38;
	[tilespmem:$0xF600] =	vst v63  }
0x1ec: {  	s11 =	sadd.s32 $0x50, s1;
	s19 =	simm.s32 $0xE368  }
0x1ed: {  	[hbm4b:s11+s3] =	stream.linear.scatter [tilespmem:s19], [sflag:$0x5], $0x80, $0x38;
	[tilespmem:$0xF600] =	vst v63  }
0x1ee: {  	s20 =	sadd.s32 $0x60, s1;
	s21 =	simm.s32 $0xE3F0  }
0x1ef: {  	[hbm4b:s20+s3] =	stream.linear.scatter [tilespmem:s21], [sflag:$0x5], $0x80, $0x38;
	[tilespmem:$0xF600] =	vst v63  }
0x1f0: {  	s1 =	sadd.s32 $0x70, s1;
	s23 =	simm.s32 $0xE478  }
0x1f1: {  	[hbm4b:s1+s3] =	stream.linear.scatter [tilespmem:s23], [sflag:$0x5], $0x80, $0x38;
	[tilespmem:$0xF600] =	vst v63  }
0x1f2: {  	s9 =	simm.s32 $0xE500;
	s1 =	sadd.s32 s0, s15  }
0x1f3: {  	[hbm4b:s1+s3] =	stream.linear.scatter [tilespmem:s9], [sflag:$0x5], $0x80, $0x38;
	[tilespmem:$0xF600] =	vst v63  }
0x1f4: {  	s11 =	simm.s32 $0xE588;
	s10 =	sadd.s32 $0x10, s1  }
0x1f5: {  	[hbm4b:s10+s3] =	stream.linear.scatter [tilespmem:s11], [sflag:$0x5], $0x80, $0x38;
	[tilespmem:$0xF600] =	vst v63  }
0x1f6: {  	s20 =	simm.s32 $0xE610;
	s19 =	sadd.s32 $0x20, s1  }
0x1f7: {  	[hbm4b:s19+s3] =	stream.linear.scatter [tilespmem:s20], [sflag:$0x5], $0x80, $0x38;
	[tilespmem:$0xF600] =	vst v63  }
0x1f8: {  	s23 =	simm.s32 $0xE698;
	s21 =	sadd.s32 $0x30, s1  }
0x1f9: {  	[hbm4b:s21+s3] =	stream.linear.scatter [tilespmem:s23], [sflag:$0x5], $0x80, $0x38;
	[tilespmem:$0xF600] =	vst v63  }
0x1fa: {  	s9 =	sadd.s32 $0x40, s1;
	s10 =	simm.s32 $0xE720  }
0x1fb: {  	[hbm4b:s9+s3] =	stream.linear.scatter [tilespmem:s10], [sflag:$0x5], $0x80, $0x38;
	[tilespmem:$0xF600] =	vst v63  }
0x1fc: {  	s11 =	sadd.s32 $0x50, s1;
	s19 =	simm.s32 $0xE7A8  }
0x1fd: {  	[hbm4b:s11+s3] =	stream.linear.scatter [tilespmem:s19], [sflag:$0x5], $0x80, $0x38;
	[tilespmem:$0xF600] =	vst v63  }
0x1fe: {  	s20 =	sadd.s32 $0x60, s1;
	s21 =	simm.s32 $0xE830  }
0x1ff: {  	[hbm4b:s20+s3] =	stream.linear.scatter [tilespmem:s21], [sflag:$0x5], $0x80, $0x38;
	[tilespmem:$0xF600] =	vst v63  }
0x200: {  	s1 =	sadd.s32 $0x70, s1;
	s23 =	simm.s32 $0xE8B8  }
0x201: {  	[hbm4b:s1+s3] =	stream.linear.scatter [tilespmem:s23], [sflag:$0x5], $0x80, $0x38;
	[tilespmem:$0xF600] =	vst v63  }
0x202: {  	s9 =	simm.s32 $0xE940;
	s1 =	sadd.s32 s0, s16  }
0x203: {  	[hbm4b:s1+s3] =	stream.linear.scatter [tilespmem:s9], [sflag:$0x5], $0x80, $0x38;
	[tilespmem:$0xF600] =	vst v63  }
0x204: {  	s11 =	simm.s32 $0xE9C8;
	s10 =	sadd.s32 $0x10, s1  }
0x205: {  	[hbm4b:s10+s3] =	stream.linear.scatter [tilespmem:s11], [sflag:$0x5], $0x80, $0x38;
	[tilespmem:$0xF600] =	vst v63  }
0x206: {  	s20 =	simm.s32 $0xEA50;
	s19 =	sadd.s32 $0x20, s1  }
0x207: {  	[hbm4b:s19+s3] =	stream.linear.scatter [tilespmem:s20], [sflag:$0x5], $0x80, $0x38;
	[tilespmem:$0xF600] =	vst v63  }
0x208: {  	s23 =	simm.s32 $0xEAD8;
	s21 =	sadd.s32 $0x30, s1  }
0x209: {  	[hbm4b:s21+s3] =	stream.linear.scatter [tilespmem:s23], [sflag:$0x5], $0x80, $0x38;
	[tilespmem:$0xF600] =	vst v63  }
0x20a: {  	s9 =	sadd.s32 $0x40, s1;
	s10 =	simm.s32 $0xEB60  }
0x20b: {  	[hbm4b:s9+s3] =	stream.linear.scatter [tilespmem:s10], [sflag:$0x5], $0x80, $0x38;
	[tilespmem:$0xF600] =	vst v63  }
0x20c: {  	s11 =	sadd.s32 $0x50, s1;
	s19 =	simm.s32 $0xEBE8  }
0x20d: {  	[hbm4b:s11+s3] =	stream.linear.scatter [tilespmem:s19], [sflag:$0x5], $0x80, $0x38;
	[tilespmem:$0xF600] =	vst v63  }
0x20e: {  	s20 =	sadd.s32 $0x60, s1;
	s21 =	simm.s32 $0xEC70  }
0x20f: {  	[hbm4b:s20+s3] =	stream.linear.scatter [tilespmem:s21], [sflag:$0x5], $0x80, $0x38;
	[tilespmem:$0xF600] =	vst v63  }
0x210: {  	s1 =	sadd.s32 $0x70, s1;
	s23 =	simm.s32 $0xECF8  }
0x211: {  	[hbm4b:s1+s3] =	stream.linear.scatter [tilespmem:s23], [sflag:$0x5], $0x80, $0x38;
	[tilespmem:$0xF600] =	vst v63  }
0x212: {  	s9 =	simm.s32 $0xED80;
	s1 =	sadd.s32 s0, s17  }
0x213: {  	[hbm4b:s1+s3] =	stream.linear.scatter [tilespmem:s9], [sflag:$0x5], $0x80, $0x38;
	[tilespmem:$0xF600] =	vst v63  }
0x214: {  	s11 =	simm.s32 $0xEE08;
	s10 =	sadd.s32 $0x10, s1  }
0x215: {  	[hbm4b:s10+s3] =	stream.linear.scatter [tilespmem:s11], [sflag:$0x5], $0x80, $0x38;
	[tilespmem:$0xF600] =	vst v63  }
0x216: {  	s20 =	simm.s32 $0xEE90;
	s19 =	sadd.s32 $0x20, s1  }
0x217: {  	[hbm4b:s19+s3] =	stream.linear.scatter [tilespmem:s20], [sflag:$0x5], $0x80, $0x38;
	[tilespmem:$0xF600] =	vst v63  }
0x218: {  	s23 =	simm.s32 $0xEF18;
	s21 =	sadd.s32 $0x30, s1  }
0x219: {  	[hbm4b:s21+s3] =	stream.linear.scatter [tilespmem:s23], [sflag:$0x5], $0x80, $0x38;
	[tilespmem:$0xF600] =	vst v63  }
0x21a: {  	s10 =	sadd.s32 $0x40, s1;
	s11 =	simm.s32 $0xEFA0  }
0x21b: {  	[hbm4b:s10+s3] =	stream.linear.scatter [tilespmem:s11], [sflag:$0x5], $0x80, $0x38;
	[tilespmem:$0xF600] =	vst v63  }
0x21c: {  	s19 =	sadd.s32 $0x50, s1;
	s20 =	simm.s32 $0xF028  }
0x21d: {  	[hbm4b:s19+s3] =	stream.linear.scatter [tilespmem:s20], [sflag:$0x5], $0x80, $0x38;
	[tilespmem:$0xF600] =	vst v63  }
0x21e: {  	s21 =	sadd.s32 $0x60, s1;
	s23 =	simm.s32 $0xF0B0  }
0x21f: {  	[hbm4b:s21+s3] =	stream.linear.scatter [tilespmem:s23], [sflag:$0x5], $0x80, $0x38;
	[tilespmem:$0xF600] =	vst v63  }
0x220: {  	s1 =	sadd.s32 $0x70, s1;
	s10 =	simm.s32 $0xF138  }
0x221: {  	[hbm4b:s1+s3] =	stream.linear.scatter [tilespmem:s10], [sflag:$0x5], $0x80, $0x38;
	[tilespmem:$0xF600] =	vst v63  }
0x222: {  	s0 =	sadd.s32 s0, s18;
	s11 =	simm.s32 $0xF1C0  }
0x223: {  	[hbm4b:s0+s3] =	stream.linear.scatter [tilespmem:s11], [sflag:$0x5], $0x80, $0x38;
	[tilespmem:$0xF600] =	vst v63  }
0x224: {  	s19 =	sadd.s32 $0x10, s0;
	s20 =	simm.s32 $0xF248  }
0x225: {  	[hbm4b:s19+s3] =	stream.linear.scatter [tilespmem:s20], [sflag:$0x5], $0x80, $0x38;
	[tilespmem:$0xF600] =	vst v63  }
0x226: {  	s21 =	sadd.s32 $0x20, s0;
	s23 =	simm.s32 $0xF2D0  }
0x227: {  	[hbm4b:s21+s3] =	stream.linear.scatter [tilespmem:s23], [sflag:$0x5], $0x80, $0x38;
	[tilespmem:$0xF600] =	vst v63  }
0x228: {  	s9 =	sadd.s32 $0x30, s0;
	s10 =	simm.s32 $0xF358  }
0x229: {  	[hbm4b:s9+s3] =	stream.linear.scatter [tilespmem:s10], [sflag:$0x5], $0x80, $0x38;
	[tilespmem:$0xF600] =	vst v63  }
0x22a: {  	s11 =	sadd.s32 $0x40, s0;
	s19 =	simm.s32 $0xF3E0  }
0x22b: {  	[hbm4b:s11+s3] =	stream.linear.scatter [tilespmem:s19], [sflag:$0x5], $0x80, $0x38;
	[tilespmem:$0xF600] =	vst v63  }
0x22c: {  	s20 =	sadd.s32 $0x50, s0;
	s21 =	simm.s32 $0xF468  }
0x22d: {  	[hbm4b:s20+s3] =	stream.linear.scatter [tilespmem:s21], [sflag:$0x5], $0x80, $0x38;
	[tilespmem:$0xF600] =	vst v63  }
.Ltmp4:
0x22e: {  	_ = 	snop;
	(pc) =	sbr.rel @p2 .LBB2_8-.Ltmp4, $4  }
0x22f: {  	s23 =	sadd.s32 $0x60, s0  }
0x230: {  	[hbm4b:s23+s3] =	stream.linear.scatter [tilespmem:s28], [sflag:$0x5], $0x80, $0x38;
	[tilespmem:$0xF600] =	vst v63  }
0x231: {  	s0 =	sadd.s32 $0x70, s0  }
0x232: {  	[hbm4b:s0+s3] =	stream.linear.scatter [tilespmem:s29], [sflag:$0x5], $0x80, $0x38;
	[tilespmem:$0xF600] =	vst v63  }
0x233: {  	s0 =	sadd.s32 $0x2, s31  }
0x234: {  	s1 =	sshrl.u32 s0, $0x3;
	s8 =	sshll.u32 s0, $0x3  }
0x235: {  	s0 =	sand.u32 $0x7FFFC0, s0;
	s1 =	sand.u32 $0x7, s1;
	s8 =	sand.u32 $0x38, s8  }
0x236: {  	s0 =	sor.u32 s8, s0;
	s1 =	ssub.s32 s1, s6  }
.Ltmp5:
0x237: {  	s0 =	sadd.s32 s0, s1;
	(pc) =	sbr.rel .LBB2_2-.Ltmp5, $4  }
0x238: {  	s0 =	sshll.u32 s0, $0x9  }
0x239: {  	s0 =	sshra.s32 s0, $0x2  }
0x23a: {  	s31 =	simm.s32 $0x9200;
	s30 =	sadd.s32 $0x1, s30;
	s0 =	sadd.s32 $0x3200, s0  }
0x23b: {  	[tilespmem:s31], [sflag:$0x3] =	stream.indirect.gather [hbm4b:s5+s24], $0x40, s0, s24, $0xb8;
	[tilespmem:$0xF600] =	vst v63  }
.LBB2_9:
0x23c: {  	_ =	sfence.sel $0x180000  }
0x23d: {  	[bflag:$0x0] =	sbarrier.arrive $0xFFFF  }
0x23e: {  	_ =	strace $0x90000047  }
0x23f: {  	s0 =	stileid.u32;
	[bflag:$0x2] =	sbarrier.arrive $0xFFFF  }
0x240: {  	p0 =	sne.s32 s0, $0x0;
	s0 =	rddreg [dreg:$0x3]  }
0x241: {  	s0 =	sadd.s32 @!p0 $0x100000, s0  }
0x242: {  	[sflag:s0] =	ssyncadd.tile.s32 @!p0 $0x1;
	_ =	shalt  }
.Lfunc_end2:
_tile_overlayer_lowered:
.L_overlay_start_2:
0x243: {  	(tag) =	ssettag $0x2  }
0x244: {  	s0 =	rddreg [dreg:$0x0];
	s2 =	stileid.u32  }
0x245: {  	s1 =	rddreg [dreg:$0x1];
	p0 =	sne.s32 s2, $0x0  }
0x246: {  	s3 =	rddreg [dreg:$0x2];
	[bflag:$0x3] =	sbarrier.arrive $0xFFFF;
	s2 =	simm.s32 @!p0 $0x1C06  }
0x247: {  	[timem:s3], [sflag:s2] =	dma.local @!p0 [hbm:s0], s1  }
0x248: {  	s0 =	simm.s32 @!p0 $0x6  }
0x249: {  	_ =	swait.ge @!p0 [sflag:s0], s1  }
0x24a: {  	s1 =	ssub.s32 @!p0 $0x0, s1;
	[sflag:s0] =	ssyncset.done @!p0 $0x0  }
0x24b: {  	[sflag:s0] =	ssyncadd.s32 @!p0 s1  }
0x24c: {  	[bflag:$0x3] =	sbarrier.arrive $0xFFFF  }
0x24d: {  	_ =	shalt  }

</sc_bundles>
